<compile_context>
chip_gen: v7x
topology: tpu7x:2x2x1
jax: 0.10.2.dev20260603
libtpu: 0.0.44.dev20260713+nightly
codegen_flags: <defaults>
</compile_context>

<pallas_src>
import jax
import jax.numpy as jnp
from jax import lax
from jax.experimental import pallas as pl
from jax.experimental.pallas import tpu as pltpu
from jax.experimental.pallas import tpu_sc as plsc

VOCAB = 1000000
EMBED = 64
BATCH = 16384
HIST = 200

NC = 2
NS = 16
L = 16
NW = NC * NS

ROWS_PER_W = BATCH // NW
BR = 64
NBLK = ROWS_PER_W // BR
NG = EMBED // L
C0 = 128
C1 = HIST - C0
UNROLL = 4


def _body(idx_hbm, table_hbm, out_hbm, idx_v, rows0_v, rows1_v, out_v,
          sem0, sem1):
    wid = lax.axis_index("s") * NC + lax.axis_index("c")
    base = wid * ROWS_PER_W
    bufs = (rows0_v, rows1_v)
    sems = (sem0, sem1)

    def start_gather(r, buf, sem):
        pltpu.async_copy(
            table_hbm.at[idx_v.at[r, pl.ds(0, C0)]],
            buf.at[pl.ds(0, C0)], sem)
        pltpu.async_copy(
            table_hbm.at[idx_v.at[r, pl.ds(C0, C1)]],
            buf.at[pl.ds(C0, C1)], sem)

    def wait_gather(r, buf, sem):
        pltpu.make_async_copy(
            table_hbm.at[idx_v.at[r, pl.ds(0, C0)]],
            buf.at[pl.ds(0, C0)], sem).wait()
        pltpu.make_async_copy(
            table_hbm.at[idx_v.at[r, pl.ds(C0, C1)]],
            buf.at[pl.ds(C0, C1)], sem).wait()

    def reduce_row(r, buf):
        init = tuple(
            jnp.full((L,), -jnp.inf, jnp.float32) for _ in range(NG))

        def red(i, accs):
            accs = list(accs)
            for u in range(UNROLL):
                row = i * UNROLL + u
                for g in range(NG):
                    accs[g] = jnp.maximum(accs[g], buf[row, pl.ds(g * L, L)])
            return tuple(accs)

        accs = lax.fori_loop(0, HIST // UNROLL, red, init)
        for g in range(NG):
            x = accs[g]
            e = jnp.exp(x + x)
            out_v[r, pl.ds(g * L, L)] = 1.0 - 2.0 / (e + 1.0)

    def blk_body(blk, carry):
        row0 = base + blk * BR
        pltpu.sync_copy(idx_hbm.at[pl.ds(row0, BR)], idx_v)
        start_gather(0, bufs[0], sems[0])

        def pair_body(j, carry):
            r0 = 2 * j
            start_gather(r0 + 1, bufs[1], sems[1])
            wait_gather(r0, bufs[0], sems[0])
            reduce_row(r0, bufs[0])

            @pl.when(j < BR // 2 - 1)
            def _():
                start_gather(r0 + 2, bufs[0], sems[0])

            wait_gather(r0 + 1, bufs[1], sems[1])
            reduce_row(r0 + 1, bufs[1])
            return carry

        lax.fori_loop(0, BR // 2, pair_body, 0)
        pltpu.sync_copy(out_v, out_hbm.at[pl.ds(row0, BR)])
        return carry

    lax.fori_loop(0, NBLK, blk_body, 0)


@jax.jit
def kernel(input, table):
    idx = input.astype(jnp.int32)
    mesh = plsc.VectorSubcoreMesh(
        core_axis_name="c", subcore_axis_name="s",
        num_cores=NC, num_subcores=NS)
    k = pl.kernel(
        _body,
        out_type=jax.ShapeDtypeStruct((BATCH, EMBED), jnp.float32),
        mesh=mesh,
        scratch_types=[
            pltpu.VMEM((BR, HIST), jnp.int32),
            pltpu.VMEM((HIST, EMBED), jnp.float32),
            pltpu.VMEM((HIST, EMBED), jnp.float32),
            pltpu.VMEM((BR, EMBED), jnp.float32),
            pltpu.SemaphoreType.DMA,
            pltpu.SemaphoreType.DMA,
        ],
        compiler_params=pltpu.CompilerParams(use_tc_tiling_on_sc=False),
    )
    return k(idx, table)

# --- scband reference (transcript-rebuilt; emitter-appended) ---
"""Pipeline reference for scband-bowencoder-23854248362729 (READ-ONLY COPY).

The authoritative reference and input builder live on the scoring server;
editing this copy changes nothing except your own understanding.
"""

import jax, jax.numpy as jnp
import numpy as np

VOCAB = 1000000
EMBED = 64
BATCH = 16384
HIST = 200

def setup_inputs(seed: int = 0) -> dict:
    key = jax.random.key(seed)
    k_idx, k_tab = jax.random.split(key)
    input = jax.random.randint(k_idx, (BATCH, HIST), 0, VOCAB, dtype=jnp.int64)
    table = jax.random.normal(k_tab, (VOCAB, EMBED), dtype=jnp.float32) * 0.02
    return {"input": input, "table": table}

def reference(input, table):
    # embedding lookup (gather)
    embedded = jnp.take(table, input, axis=0)  # [B, L, D]
    # dropout is identity in eval mode (self.training == False)
    # max pool over sequence dim, then tanh activation
    pooled = jnp.max(embedded, axis=1)  # [B, D]
    return jnp.tanh(pooled)

if __name__ == "__main__":
    import jax
    _d = setup_inputs()
    print(jax.jit(kernel)(*tuple(_d.values())))

</pallas_src>

<mosaic_0001>
#map = affine_map<(d0, d1) -> (0, 0)>
module attributes {stable_mosaic.version = 14 : i64} {
  func.func @_body(%arg0: i32, %arg1: i32, %arg2: memref<16384x200xi32, #tpu.memory_space<hbm>>, %arg3: memref<1000000x64xf32, #tpu.memory_space<hbm>>, %arg4: memref<16384x64xf32, #tpu.memory_space<hbm>>, %arg5: memref<64x200xi32, #tpu.memory_space<vmem>>, %arg6: memref<200x64xf32, #tpu.memory_space<vmem>>, %arg7: memref<200x64xf32, #tpu.memory_space<vmem>>, %arg8: memref<64x64xf32, #tpu.memory_space<vmem>>, %arg9: memref<!tpu.dma_semaphore, #tpu.memory_space<semaphore_mem>>, %arg10: memref<!tpu.dma_semaphore, #tpu.memory_space<semaphore_mem>>) attributes {dimension_semantics = [#tpu.dimension_semantics<core_parallel>, #tpu.dimension_semantics<subcore_parallel>], iteration_bounds = array<i64: 2, 16>, scalar_prefetch = 0 : i64, scratch_operands = 6 : i64, tpu.core_type = #tpu.core_type<sc_vector_subcore>, window_params = [{transform_indices = #map}, {transform_indices = #map}, {transform_indices = #map}]} {
    %mul3A = arith.constant 2 : i32
    %mul3A_0 = arith.muli %arg1, %mul3A : i32
    %add3A = arith.addi %mul3A_0, %arg0 : i32
    %mul3A_1 = arith.constant 512 : i32
    %mul3A_2 = arith.muli %add3A, %mul3A_1 : i32
    %scan3A = arith.constant 0 : i32
    %scan3A_3 = arith.constant 0 : i32
    %scan3A_4 = arith.constant 8 : i32
    %scan3A_5 = arith.addi %scan3A_3, %scan3A_4 : i32
    %scan3A_6 = arith.constant 1 : i32
    scf.for %scan3A_8 = %scan3A_3 to %scan3A_5 step %scan3A_6  : i32 {
      %mul3A_9 = arith.constant 64 : i32
      %mul3A_10 = arith.muli %scan3A_8, %mul3A_9 : i32
      %add3A_11 = arith.addi %mul3A_2, %mul3A_10 : i32
      "tpu.region"() ({
        %run_scoped3A = tpu.sem_alloc : memref<!tpu.dma_semaphore, #tpu.memory_space<semaphore_mem>>
        %dma_start3A_37 = arith.constant 0 : i32
        %dma_start3A_38 = tpu.memref_slice %arg2[%add3A_11, %dma_start3A_37] : memref<16384x200xi32, #tpu.memory_space<hbm>> -> memref<64x200xi32, #tpu.memory_space<hbm>>
        %dma_start3A_39 = arith.constant 0 : i32
        %dma_start3A_40 = tpu.memref_slice %arg2[%add3A_11, %dma_start3A_39] : memref<16384x200xi32, #tpu.memory_space<hbm>> -> memref<64x200xi32, #tpu.memory_space<hbm>>
        tpu.enqueue_dma source(%dma_start3A_40 : memref<64x200xi32, #tpu.memory_space<hbm>>) target(%arg5 : memref<64x200xi32, #tpu.memory_space<vmem>>) target_semaphore(%run_scoped3A : memref<!tpu.dma_semaphore, #tpu.memory_space<semaphore_mem>>)
        %dma_wait3A = arith.constant 0 : i32
        %dma_wait3A_41 = tpu.memref_slice %arg2[%add3A_11, %dma_wait3A] : memref<16384x200xi32, #tpu.memory_space<hbm>> -> memref<64x200xi32, #tpu.memory_space<hbm>>
        %dma_wait3A_42 = arith.constant 0 : i32
        %dma_wait3A_43 = tpu.memref_slice %arg2[%add3A_11, %dma_wait3A_42] : memref<16384x200xi32, #tpu.memory_space<hbm>> -> memref<64x200xi32, #tpu.memory_space<hbm>>
        tpu.wait_dma2 semaphore(%run_scoped3A : memref<!tpu.dma_semaphore, #tpu.memory_space<semaphore_mem>>) src(%dma_wait3A_43 : memref<64x200xi32, #tpu.memory_space<hbm>>) dst(%arg5 : memref<64x200xi32, #tpu.memory_space<vmem>>)
        tpu.yield
      }) : () -> ()
      %dma_start3A = arith.constant 0 : i32
      %dma_start3A_12 = arith.constant 0 : i32
      %dma_start3A_13 = arith.constant 0 : i32
      %dma_start3A_14 = tpu.memref_slice %arg6[%dma_start3A_12, %dma_start3A_13] : memref<200x64xf32, #tpu.memory_space<vmem>> -> memref<128x64xf32, #tpu.memory_space<vmem>>
      %dma_start3A_15 = arith.constant 0 : i32
      %dma_start3A_16 = tpu.memref_slice %arg5[%dma_start3A, %dma_start3A_15] : memref<64x200xi32, #tpu.memory_space<vmem>> -> memref<1x128xi32, #tpu.memory_space<vmem>>
      %dma_start3A_17 = tpu.memref_squeeze %dma_start3A_16 : memref<1x128xi32, #tpu.memory_space<vmem>> -> memref<128xi32, #tpu.memory_space<vmem>>
      %dma_start3A_18 = arith.constant 0 : i32
      %dma_start3A_19 = arith.constant 0 : i32
      %dma_start3A_20 = tpu.memref_slice %arg3[%dma_start3A_18, %dma_start3A_19] : memref<1000000x64xf32, #tpu.memory_space<hbm>> -> memref<1000000x64xf32, #tpu.memory_space<hbm>>
      tpu.enqueue_indirect_dma source(%dma_start3A_20 : memref<1000000x64xf32, #tpu.memory_space<hbm>>) target(%dma_start3A_14 : memref<128x64xf32, #tpu.memory_space<vmem>>) offsets(%dma_start3A_17 : memref<128xi32, #tpu.memory_space<vmem>>) semaphore(%arg9 : memref<!tpu.dma_semaphore, #tpu.memory_space<semaphore_mem>>)
      %dma_start3A_21 = arith.constant 0 : i32
      %dma_start3A_22 = arith.constant 128 : i32
      %dma_start3A_23 = arith.constant 0 : i32
      %dma_start3A_24 = tpu.memref_slice %arg6[%dma_start3A_22, %dma_start3A_23] : memref<200x64xf32, #tpu.memory_space<vmem>> -> memref<72x64xf32, #tpu.memory_space<vmem>>
      %dma_start3A_25 = arith.constant 128 : i32
      %dma_start3A_26 = tpu.memref_slice %arg5[%dma_start3A_21, %dma_start3A_25] : memref<64x200xi32, #tpu.memory_space<vmem>> -> memref<1x72xi32, #tpu.memory_space<vmem>>
      %dma_start3A_27 = tpu.memref_squeeze %dma_start3A_26 : memref<1x72xi32, #tpu.memory_space<vmem>> -> memref<72xi32, #tpu.memory_space<vmem>>
      %dma_start3A_28 = arith.constant 0 : i32
      %dma_start3A_29 = arith.constant 0 : i32
      %dma_start3A_30 = tpu.memref_slice %arg3[%dma_start3A_28, %dma_start3A_29] : memref<1000000x64xf32, #tpu.memory_space<hbm>> -> memref<1000000x64xf32, #tpu.memory_space<hbm>>
      tpu.enqueue_indirect_dma source(%dma_start3A_30 : memref<1000000x64xf32, #tpu.memory_space<hbm>>) target(%dma_start3A_24 : memref<72x64xf32, #tpu.memory_space<vmem>>) offsets(%dma_start3A_27 : memref<72xi32, #tpu.memory_space<vmem>>) semaphore(%arg9 : memref<!tpu.dma_semaphore, #tpu.memory_space<semaphore_mem>>)
      %scan3A_31 = arith.constant 0 : i32
      %scan3A_32 = arith.constant 0 : i32
      %scan3A_33 = arith.constant 32 : i32
      %scan3A_34 = arith.addi %scan3A_32, %scan3A_33 : i32
      %scan3A_35 = arith.constant 1 : i32
      scf.for %scan3A_37 = %scan3A_32 to %scan3A_34 step %scan3A_35  : i32 {
        %mul3A_38 = arith.constant 2 : i32
        %mul3A_39 = arith.muli %mul3A_38, %scan3A_37 : i32
        %add3A_40 = arith.constant 1 : i32
        %add3A_41 = arith.addi %mul3A_39, %add3A_40 : i32
        %dma_start3A_42 = arith.constant 0 : i32
        %dma_start3A_43 = arith.constant 0 : i32
        %dma_start3A_44 = tpu.memref_slice %arg7[%dma_start3A_42, %dma_start3A_43] : memref<200x64xf32, #tpu.memory_space<vmem>> -> memref<128x64xf32, #tpu.memory_space<vmem>>
        %dma_start3A_45 = arith.constant 0 : i32
        %dma_start3A_46 = tpu.memref_slice %arg5[%add3A_41, %dma_start3A_45] : memref<64x200xi32, #tpu.memory_space<vmem>> -> memref<1x128xi32, #tpu.memory_space<vmem>>
        %dma_start3A_47 = tpu.memref_squeeze %dma_start3A_46 : memref<1x128xi32, #tpu.memory_space<vmem>> -> memref<128xi32, #tpu.memory_space<vmem>>
        %dma_start3A_48 = arith.constant 0 : i32
        %dma_start3A_49 = arith.constant 0 : i32
        %dma_start3A_50 = tpu.memref_slice %arg3[%dma_start3A_48, %dma_start3A_49] : memref<1000000x64xf32, #tpu.memory_space<hbm>> -> memref<1000000x64xf32, #tpu.memory_space<hbm>>
        tpu.enqueue_indirect_dma source(%dma_start3A_50 : memref<1000000x64xf32, #tpu.memory_space<hbm>>) target(%dma_start3A_44 : memref<128x64xf32, #tpu.memory_space<vmem>>) offsets(%dma_start3A_47 : memref<128xi32, #tpu.memory_space<vmem>>) semaphore(%arg10 : memref<!tpu.dma_semaphore, #tpu.memory_space<semaphore_mem>>)
        %dma_start3A_51 = arith.constant 128 : i32
        %dma_start3A_52 = arith.constant 0 : i32
        %dma_start3A_53 = tpu.memref_slice %arg7[%dma_start3A_51, %dma_start3A_52] : memref<200x64xf32, #tpu.memory_space<vmem>> -> memref<72x64xf32, #tpu.memory_space<vmem>>
        %dma_start3A_54 = arith.constant 128 : i32
        %dma_start3A_55 = tpu.memref_slice %arg5[%add3A_41, %dma_start3A_54] : memref<64x200xi32, #tpu.memory_space<vmem>> -> memref<1x72xi32, #tpu.memory_space<vmem>>
        %dma_start3A_56 = tpu.memref_squeeze %dma_start3A_55 : memref<1x72xi32, #tpu.memory_space<vmem>> -> memref<72xi32, #tpu.memory_space<vmem>>
        %dma_start3A_57 = arith.constant 0 : i32
        %dma_start3A_58 = arith.constant 0 : i32
        %dma_start3A_59 = tpu.memref_slice %arg3[%dma_start3A_57, %dma_start3A_58] : memref<1000000x64xf32, #tpu.memory_space<hbm>> -> memref<1000000x64xf32, #tpu.memory_space<hbm>>
        tpu.enqueue_indirect_dma source(%dma_start3A_59 : memref<1000000x64xf32, #tpu.memory_space<hbm>>) target(%dma_start3A_53 : memref<72x64xf32, #tpu.memory_space<vmem>>) offsets(%dma_start3A_56 : memref<72xi32, #tpu.memory_space<vmem>>) semaphore(%arg10 : memref<!tpu.dma_semaphore, #tpu.memory_space<semaphore_mem>>)
        %dma_wait3A = arith.constant 0 : i32
        %dma_wait3A_60 = arith.constant 0 : i32
        %dma_wait3A_61 = tpu.memref_slice %arg6[%dma_wait3A, %dma_wait3A_60] : memref<200x64xf32, #tpu.memory_space<vmem>> -> memref<128x64xf32, #tpu.memory_space<vmem>>
        %dma_wait3A_62 = arith.constant 0 : i32
        %dma_wait3A_63 = tpu.memref_slice %arg5[%mul3A_39, %dma_wait3A_62] : memref<64x200xi32, #tpu.memory_space<vmem>> -> memref<1x128xi32, #tpu.memory_space<vmem>>
        %dma_wait3A_64 = tpu.memref_squeeze %dma_wait3A_63 : memref<1x128xi32, #tpu.memory_space<vmem>> -> memref<128xi32, #tpu.memory_space<vmem>>
        %dma_wait3A_65 = arith.constant 0 : i32
        %dma_wait3A_66 = arith.constant 0 : i32
        %dma_wait3A_67 = tpu.memref_slice %arg3[%dma_wait3A_65, %dma_wait3A_66] : memref<1000000x64xf32, #tpu.memory_space<hbm>> -> memref<1000000x64xf32, #tpu.memory_space<hbm>>
        tpu.wait_indirect_dma semaphore(%arg9 : memref<!tpu.dma_semaphore, #tpu.memory_space<semaphore_mem>>) src(%dma_wait3A_67 : memref<1000000x64xf32, #tpu.memory_space<hbm>>) dst(%dma_wait3A_61 : memref<128x64xf32, #tpu.memory_space<vmem>>)
        %dma_wait3A_68 = arith.constant 128 : i32
        %dma_wait3A_69 = arith.constant 0 : i32
        %dma_wait3A_70 = tpu.memref_slice %arg6[%dma_wait3A_68, %dma_wait3A_69] : memref<200x64xf32, #tpu.memory_space<vmem>> -> memref<72x64xf32, #tpu.memory_space<vmem>>
        %dma_wait3A_71 = arith.constant 128 : i32
        %dma_wait3A_72 = tpu.memref_slice %arg5[%mul3A_39, %dma_wait3A_71] : memref<64x200xi32, #tpu.memory_space<vmem>> -> memref<1x72xi32, #tpu.memory_space<vmem>>
        %dma_wait3A_73 = tpu.memref_squeeze %dma_wait3A_72 : memref<1x72xi32, #tpu.memory_space<vmem>> -> memref<72xi32, #tpu.memory_space<vmem>>
        %dma_wait3A_74 = arith.constant 0 : i32
        %dma_wait3A_75 = arith.constant 0 : i32
        %dma_wait3A_76 = tpu.memref_slice %arg3[%dma_wait3A_74, %dma_wait3A_75] : memref<1000000x64xf32, #tpu.memory_space<hbm>> -> memref<1000000x64xf32, #tpu.memory_space<hbm>>
        tpu.wait_indirect_dma semaphore(%arg9 : memref<!tpu.dma_semaphore, #tpu.memory_space<semaphore_mem>>) src(%dma_wait3A_76 : memref<1000000x64xf32, #tpu.memory_space<hbm>>) dst(%dma_wait3A_70 : memref<72x64xf32, #tpu.memory_space<vmem>>)
        %broadcast_in_dim3A = arith.constant 0xFF800000 : f32
        %broadcast_in_dim3A_77 = vector.broadcast %broadcast_in_dim3A : f32 to vector<16xf32>
        %broadcast_in_dim3A_78 = arith.constant 0xFF800000 : f32
        %broadcast_in_dim3A_79 = vector.broadcast %broadcast_in_dim3A_78 : f32 to vector<16xf32>
        %broadcast_in_dim3A_80 = arith.constant 0xFF800000 : f32
        %broadcast_in_dim3A_81 = vector.broadcast %broadcast_in_dim3A_80 : f32 to vector<16xf32>
        %broadcast_in_dim3A_82 = arith.constant 0xFF800000 : f32
        %broadcast_in_dim3A_83 = vector.broadcast %broadcast_in_dim3A_82 : f32 to vector<16xf32>
        %scan3A_84 = arith.constant 0 : i32
        %scan3A_85 = arith.constant 50 : i32
        %scan3A_86 = arith.addi %scan3A_84, %scan3A_85 : i32
        %scan3A_87 = arith.constant 1 : i32
        %scan3A_88:4 = scf.for %scan3A_252 = %scan3A_84 to %scan3A_86 step %scan3A_87 iter_args(%scan3A_253 = %broadcast_in_dim3A_77, %scan3A_254 = %broadcast_in_dim3A_79, %scan3A_255 = %broadcast_in_dim3A_81, %scan3A_256 = %broadcast_in_dim3A_83) -> (vector<16xf32>, vector<16xf32>, vector<16xf32>, vector<16xf32>)  : i32 {
          %mul3A_257 = arith.constant 4 : i32
          %mul3A_258 = arith.muli %scan3A_252, %mul3A_257 : i32
          %add3A_259 = arith.constant 0 : i32
          %add3A_260 = arith.addi %mul3A_258, %add3A_259 : i32
          %get3A = arith.index_cast %add3A_260 : i32 to index
          %get3A_261 = arith.constant 0 : index
          %get3A_262 = tpu.vector_load %arg6[%get3A, %get3A_261] {strides = array<i32>} : memref<200x64xf32, #tpu.memory_space<vmem>>, vector<1x16xf32>,
          %get3A_263 = vector.shape_cast %get3A_262 : vector<1x16xf32> to vector<16xf32>
          %max3A = arith.maximumf %scan3A_253, %get3A_263 : vector<16xf32>
          %get3A_264 = arith.index_cast %add3A_260 : i32 to index
          %get3A_265 = arith.constant 16 : index
          %get3A_266 = tpu.vector_load %arg6[%get3A_264, %get3A_265] {strides = array<i32>} : memref<200x64xf32, #tpu.memory_space<vmem>>, vector<1x16xf32>,
          %get3A_267 = vector.shape_cast %get3A_266 : vector<1x16xf32> to vector<16xf32>
          %max3A_268 = arith.maximumf %scan3A_254, %get3A_267 : vector<16xf32>
          %get3A_269 = arith.index_cast %add3A_260 : i32 to index
          %get3A_270 = arith.constant 32 : index
          %get3A_271 = tpu.vector_load %arg6[%get3A_269, %get3A_270] {strides = array<i32>} : memref<200x64xf32, #tpu.memory_space<vmem>>, vector<1x16xf32>,
          %get3A_272 = vector.shape_cast %get3A_271 : vector<1x16xf32> to vector<16xf32>
          %max3A_273 = arith.maximumf %scan3A_255, %get3A_272 : vector<16xf32>
          %get3A_274 = arith.index_cast %add3A_260 : i32 to index
          %get3A_275 = arith.constant 48 : index
          %get3A_276 = tpu.vector_load %arg6[%get3A_274, %get3A_275] {strides = array<i32>} : memref<200x64xf32, #tpu.memory_space<vmem>>, vector<1x16xf32>,
          %get3A_277 = vector.shape_cast %get3A_276 : vector<1x16xf32> to vector<16xf32>
          %max3A_278 = arith.maximumf %scan3A_256, %get3A_277 : vector<16xf32>
          %mul3A_279 = arith.constant 4 : i32
          %mul3A_280 = arith.muli %scan3A_252, %mul3A_279 : i32
          %add3A_281 = arith.constant 1 : i32
          %add3A_282 = arith.addi %mul3A_280, %add3A_281 : i32
          %get3A_283 = arith.index_cast %add3A_282 : i32 to index
          %get3A_284 = arith.constant 0 : index
          %get3A_285 = tpu.vector_load %arg6[%get3A_283, %get3A_284] {strides = array<i32>} : memref<200x64xf32, #tpu.memory_space<vmem>>, vector<1x16xf32>,
          %get3A_286 = vector.shape_cast %get3A_285 : vector<1x16xf32> to vector<16xf32>
          %max3A_287 = arith.maximumf %max3A, %get3A_286 : vector<16xf32>
          %get3A_288 = arith.index_cast %add3A_282 : i32 to index
          %get3A_289 = arith.constant 16 : index
          %get3A_290 = tpu.vector_load %arg6[%get3A_288, %get3A_289] {strides = array<i32>} : memref<200x64xf32, #tpu.memory_space<vmem>>, vector<1x16xf32>,
          %get3A_291 = vector.shape_cast %get3A_290 : vector<1x16xf32> to vector<16xf32>
          %max3A_292 = arith.maximumf %max3A_268, %get3A_291 : vector<16xf32>
          %get3A_293 = arith.index_cast %add3A_282 : i32 to index
          %get3A_294 = arith.constant 32 : index
          %get3A_295 = tpu.vector_load %arg6[%get3A_293, %get3A_294] {strides = array<i32>} : memref<200x64xf32, #tpu.memory_space<vmem>>, vector<1x16xf32>,
          %get3A_296 = vector.shape_cast %get3A_295 : vector<1x16xf32> to vector<16xf32>
          %max3A_297 = arith.maximumf %max3A_273, %get3A_296 : vector<16xf32>
          %get3A_298 = arith.index_cast %add3A_282 : i32 to index
          %get3A_299 = arith.constant 48 : index
          %get3A_300 = tpu.vector_load %arg6[%get3A_298, %get3A_299] {strides = array<i32>} : memref<200x64xf32, #tpu.memory_space<vmem>>, vector<1x16xf32>,
          %get3A_301 = vector.shape_cast %get3A_300 : vector<1x16xf32> to vector<16xf32>
          %max3A_302 = arith.maximumf %max3A_278, %get3A_301 : vector<16xf32>
          %mul3A_303 = arith.constant 4 : i32
          %mul3A_304 = arith.muli %scan3A_252, %mul3A_303 : i32
          %add3A_305 = arith.constant 2 : i32
          %add3A_306 = arith.addi %mul3A_304, %add3A_305 : i32
          %get3A_307 = arith.index_cast %add3A_306 : i32 to index
          %get3A_308 = arith.constant 0 : index
          %get3A_309 = tpu.vector_load %arg6[%get3A_307, %get3A_308] {strides = array<i32>} : memref<200x64xf32, #tpu.memory_space<vmem>>, vector<1x16xf32>,
          %get3A_310 = vector.shape_cast %get3A_309 : vector<1x16xf32> to vector<16xf32>
          %max3A_311 = arith.maximumf %max3A_287, %get3A_310 : vector<16xf32>
          %get3A_312 = arith.index_cast %add3A_306 : i32 to index
          %get3A_313 = arith.constant 16 : index
          %get3A_314 = tpu.vector_load %arg6[%get3A_312, %get3A_313] {strides = array<i32>} : memref<200x64xf32, #tpu.memory_space<vmem>>, vector<1x16xf32>,
          %get3A_315 = vector.shape_cast %get3A_314 : vector<1x16xf32> to vector<16xf32>
          %max3A_316 = arith.maximumf %max3A_292, %get3A_315 : vector<16xf32>
          %get3A_317 = arith.index_cast %add3A_306 : i32 to index
          %get3A_318 = arith.constant 32 : index
          %get3A_319 = tpu.vector_load %arg6[%get3A_317, %get3A_318] {strides = array<i32>} : memref<200x64xf32, #tpu.memory_space<vmem>>, vector<1x16xf32>,
          %get3A_320 = vector.shape_cast %get3A_319 : vector<1x16xf32> to vector<16xf32>
          %max3A_321 = arith.maximumf %max3A_297, %get3A_320 : vector<16xf32>
          %get3A_322 = arith.index_cast %add3A_306 : i32 to index
          %get3A_323 = arith.constant 48 : index
          %get3A_324 = tpu.vector_load %arg6[%get3A_322, %get3A_323] {strides = array<i32>} : memref<200x64xf32, #tpu.memory_space<vmem>>, vector<1x16xf32>,
          %get3A_325 = vector.shape_cast %get3A_324 : vector<1x16xf32> to vector<16xf32>
          %max3A_326 = arith.maximumf %max3A_302, %get3A_325 : vector<16xf32>
          %mul3A_327 = arith.constant 4 : i32
          %mul3A_328 = arith.muli %scan3A_252, %mul3A_327 : i32
          %add3A_329 = arith.constant 3 : i32
          %add3A_330 = arith.addi %mul3A_328, %add3A_329 : i32
          %get3A_331 = arith.index_cast %add3A_330 : i32 to index
          %get3A_332 = arith.constant 0 : index
          %get3A_333 = tpu.vector_load %arg6[%get3A_331, %get3A_332] {strides = array<i32>} : memref<200x64xf32, #tpu.memory_space<vmem>>, vector<1x16xf32>,
          %get3A_334 = vector.shape_cast %get3A_333 : vector<1x16xf32> to vector<16xf32>
          %max3A_335 = arith.maximumf %max3A_311, %get3A_334 : vector<16xf32>
          %get3A_336 = arith.index_cast %add3A_330 : i32 to index
          %get3A_337 = arith.constant 16 : index
          %get3A_338 = tpu.vector_load %arg6[%get3A_336, %get3A_337] {strides = array<i32>} : memref<200x64xf32, #tpu.memory_space<vmem>>, vector<1x16xf32>,
          %get3A_339 = vector.shape_cast %get3A_338 : vector<1x16xf32> to vector<16xf32>
          %max3A_340 = arith.maximumf %max3A_316, %get3A_339 : vector<16xf32>
          %get3A_341 = arith.index_cast %add3A_330 : i32 to index
          %get3A_342 = arith.constant 32 : index
          %get3A_343 = tpu.vector_load %arg6[%get3A_341, %get3A_342] {strides = array<i32>} : memref<200x64xf32, #tpu.memory_space<vmem>>, vector<1x16xf32>,
          %get3A_344 = vector.shape_cast %get3A_343 : vector<1x16xf32> to vector<16xf32>
          %max3A_345 = arith.maximumf %max3A_321, %get3A_344 : vector<16xf32>
          %get3A_346 = arith.index_cast %add3A_330 : i32 to index
          %get3A_347 = arith.constant 48 : index
          %get3A_348 = tpu.vector_load %arg6[%get3A_346, %get3A_347] {strides = array<i32>} : memref<200x64xf32, #tpu.memory_space<vmem>>, vector<1x16xf32>,
          %get3A_349 = vector.shape_cast %get3A_348 : vector<1x16xf32> to vector<16xf32>
          %max3A_350 = arith.maximumf %max3A_326, %get3A_349 : vector<16xf32>
          scf.yield %max3A_335, %max3A_340, %max3A_345, %max3A_350 : vector<16xf32>, vector<16xf32>, vector<16xf32>, vector<16xf32>
        }
        %scan3A_89 = arith.constant 50 : i32
        %add3A_90 = arith.addf %scan3A_88#0, %scan3A_88#0 : vector<16xf32>
        %exp3A = math.exp %add3A_90 : vector<16xf32>
        %add3A_91 = arith.constant 1.000000e+00 : f32
        %add3A_92 = vector.broadcast %add3A_91 : f32 to vector<16xf32>
        %add3A_93 = arith.addf %exp3A, %add3A_92 : vector<16xf32>
        %div3A = arith.constant 2.000000e+00 : f32
        %div3A_94 = vector.broadcast %div3A : f32 to vector<16xf32>
        %div3A_95 = arith.divf %div3A_94, %add3A_93 : vector<16xf32>
        %sub3A = arith.constant 1.000000e+00 : f32
        %sub3A_96 = vector.broadcast %sub3A : f32 to vector<16xf32>
        %sub3A_97 = arith.subf %sub3A_96, %div3A_95 : vector<16xf32>
        %swap3A = arith.index_cast %mul3A_39 : i32 to index
        %swap3A_98 = arith.constant 0 : index
        %swap3A_99 = tpu.vector_load %arg8[%swap3A, %swap3A_98] {strides = array<i32>} : memref<64x64xf32, #tpu.memory_space<vmem>>, vector<1x16xf32>,
        %swap3A_100 = vector.shape_cast %swap3A_99 : vector<1x16xf32> to vector<16xf32>
        %swap3A_101 = vector.shape_cast %sub3A_97 : vector<16xf32> to vector<1x16xf32>
        tpu.vector_store %arg8[%swap3A, %swap3A_98], %swap3A_101 {strides = array<i32>} : memref<64x64xf32, #tpu.memory_space<vmem>>, vector<1x16xf32>,
        %add3A_102 = arith.addf %scan3A_88#1, %scan3A_88#1 : vector<16xf32>
        %exp3A_103 = math.exp %add3A_102 : vector<16xf32>
        %add3A_104 = arith.constant 1.000000e+00 : f32
        %add3A_105 = vector.broadcast %add3A_104 : f32 to vector<16xf32>
        %add3A_106 = arith.addf %exp3A_103, %add3A_105 : vector<16xf32>
        %div3A_107 = arith.constant 2.000000e+00 : f32
        %div3A_108 = vector.broadcast %div3A_107 : f32 to vector<16xf32>
        %div3A_109 = arith.divf %div3A_108, %add3A_106 : vector<16xf32>
        %sub3A_110 = arith.constant 1.000000e+00 : f32
        %sub3A_111 = vector.broadcast %sub3A_110 : f32 to vector<16xf32>
        %sub3A_112 = arith.subf %sub3A_111, %div3A_109 : vector<16xf32>
        %swap3A_113 = arith.index_cast %mul3A_39 : i32 to index
        %swap3A_114 = arith.constant 16 : index
        %swap3A_115 = tpu.vector_load %arg8[%swap3A_113, %swap3A_114] {strides = array<i32>} : memref<64x64xf32, #tpu.memory_space<vmem>>, vector<1x16xf32>,
        %swap3A_116 = vector.shape_cast %swap3A_115 : vector<1x16xf32> to vector<16xf32>
        %swap3A_117 = vector.shape_cast %sub3A_112 : vector<16xf32> to vector<1x16xf32>
        tpu.vector_store %arg8[%swap3A_113, %swap3A_114], %swap3A_117 {strides = array<i32>} : memref<64x64xf32, #tpu.memory_space<vmem>>, vector<1x16xf32>,
        %add3A_118 = arith.addf %scan3A_88#2, %scan3A_88#2 : vector<16xf32>
        %exp3A_119 = math.exp %add3A_118 : vector<16xf32>
        %add3A_120 = arith.constant 1.000000e+00 : f32
        %add3A_121 = vector.broadcast %add3A_120 : f32 to vector<16xf32>
        %add3A_122 = arith.addf %exp3A_119, %add3A_121 : vector<16xf32>
        %div3A_123 = arith.constant 2.000000e+00 : f32
        %div3A_124 = vector.broadcast %div3A_123 : f32 to vector<16xf32>
        %div3A_125 = arith.divf %div3A_124, %add3A_122 : vector<16xf32>
        %sub3A_126 = arith.constant 1.000000e+00 : f32
        %sub3A_127 = vector.broadcast %sub3A_126 : f32 to vector<16xf32>
        %sub3A_128 = arith.subf %sub3A_127, %div3A_125 : vector<16xf32>
        %swap3A_129 = arith.index_cast %mul3A_39 : i32 to index
        %swap3A_130 = arith.constant 32 : index
        %swap3A_131 = tpu.vector_load %arg8[%swap3A_129, %swap3A_130] {strides = array<i32>} : memref<64x64xf32, #tpu.memory_space<vmem>>, vector<1x16xf32>,
        %swap3A_132 = vector.shape_cast %swap3A_131 : vector<1x16xf32> to vector<16xf32>
        %swap3A_133 = vector.shape_cast %sub3A_128 : vector<16xf32> to vector<1x16xf32>
        tpu.vector_store %arg8[%swap3A_129, %swap3A_130], %swap3A_133 {strides = array<i32>} : memref<64x64xf32, #tpu.memory_space<vmem>>, vector<1x16xf32>,
        %add3A_134 = arith.addf %scan3A_88#3, %scan3A_88#3 : vector<16xf32>
        %exp3A_135 = math.exp %add3A_134 : vector<16xf32>
        %add3A_136 = arith.constant 1.000000e+00 : f32
        %add3A_137 = vector.broadcast %add3A_136 : f32 to vector<16xf32>
        %add3A_138 = arith.addf %exp3A_135, %add3A_137 : vector<16xf32>
        %div3A_139 = arith.constant 2.000000e+00 : f32
        %div3A_140 = vector.broadcast %div3A_139 : f32 to vector<16xf32>
        %div3A_141 = arith.divf %div3A_140, %add3A_138 : vector<16xf32>
        %sub3A_142 = arith.constant 1.000000e+00 : f32
        %sub3A_143 = vector.broadcast %sub3A_142 : f32 to vector<16xf32>
        %sub3A_144 = arith.subf %sub3A_143, %div3A_141 : vector<16xf32>
        %swap3A_145 = arith.index_cast %mul3A_39 : i32 to index
        %swap3A_146 = arith.constant 48 : index
        %swap3A_147 = tpu.vector_load %arg8[%swap3A_145, %swap3A_146] {strides = array<i32>} : memref<64x64xf32, #tpu.memory_space<vmem>>, vector<1x16xf32>,
        %swap3A_148 = vector.shape_cast %swap3A_147 : vector<1x16xf32> to vector<16xf32>
        %swap3A_149 = vector.shape_cast %sub3A_144 : vector<16xf32> to vector<1x16xf32>
        tpu.vector_store %arg8[%swap3A_145, %swap3A_146], %swap3A_149 {strides = array<i32>} : memref<64x64xf32, #tpu.memory_space<vmem>>, vector<1x16xf32>,
        %lt3A = arith.constant 31 : i32
        %lt3A_150 = arith.cmpi slt, %scan3A_37, %lt3A : i32
        %convert_element_type3A = arith.extui %lt3A_150 : i1 to i32
        %cond3A = arith.constant 0 : i32
        %cond3A_151 = arith.cmpi ne, %convert_element_type3A, %cond3A : i32
        scf.if %cond3A_151 {
          %add3A_252 = arith.constant 2 : i32
          %add3A_253 = arith.addi %mul3A_39, %add3A_252 : i32
          %dma_start3A_254 = arith.constant 0 : i32
          %dma_start3A_255 = arith.constant 0 : i32
          %dma_start3A_256 = tpu.memref_slice %arg6[%dma_start3A_254, %dma_start3A_255] : memref<200x64xf32, #tpu.memory_space<vmem>> -> memref<128x64xf32, #tpu.memory_space<vmem>>
          %dma_start3A_257 = arith.constant 0 : i32
          %dma_start3A_258 = tpu.memref_slice %arg5[%add3A_253, %dma_start3A_257] : memref<64x200xi32, #tpu.memory_space<vmem>> -> memref<1x128xi32, #tpu.memory_space<vmem>>
          %dma_start3A_259 = tpu.memref_squeeze %dma_start3A_258 : memref<1x128xi32, #tpu.memory_space<vmem>> -> memref<128xi32, #tpu.memory_space<vmem>>
          %dma_start3A_260 = arith.constant 0 : i32
          %dma_start3A_261 = arith.constant 0 : i32
          %dma_start3A_262 = tpu.memref_slice %arg3[%dma_start3A_260, %dma_start3A_261] : memref<1000000x64xf32, #tpu.memory_space<hbm>> -> memref<1000000x64xf32, #tpu.memory_space<hbm>>
          tpu.enqueue_indirect_dma source(%dma_start3A_262 : memref<1000000x64xf32, #tpu.memory_space<hbm>>) target(%dma_start3A_256 : memref<128x64xf32, #tpu.memory_space<vmem>>) offsets(%dma_start3A_259 : memref<128xi32, #tpu.memory_space<vmem>>) semaphore(%arg9 : memref<!tpu.dma_semaphore, #tpu.memory_space<semaphore_mem>>)
          %dma_start3A_263 = arith.constant 128 : i32
          %dma_start3A_264 = arith.constant 0 : i32
          %dma_start3A_265 = tpu.memref_slice %arg6[%dma_start3A_263, %dma_start3A_264] : memref<200x64xf32, #tpu.memory_space<vmem>> -> memref<72x64xf32, #tpu.memory_space<vmem>>
          %dma_start3A_266 = arith.constant 128 : i32
          %dma_start3A_267 = tpu.memref_slice %arg5[%add3A_253, %dma_start3A_266] : memref<64x200xi32, #tpu.memory_space<vmem>> -> memref<1x72xi32, #tpu.memory_space<vmem>>
          %dma_start3A_268 = tpu.memref_squeeze %dma_start3A_267 : memref<1x72xi32, #tpu.memory_space<vmem>> -> memref<72xi32, #tpu.memory_space<vmem>>
          %dma_start3A_269 = arith.constant 0 : i32
          %dma_start3A_270 = arith.constant 0 : i32
          %dma_start3A_271 = tpu.memref_slice %arg3[%dma_start3A_269, %dma_start3A_270] : memref<1000000x64xf32, #tpu.memory_space<hbm>> -> memref<1000000x64xf32, #tpu.memory_space<hbm>>
          tpu.enqueue_indirect_dma source(%dma_start3A_271 : memref<1000000x64xf32, #tpu.memory_space<hbm>>) target(%dma_start3A_265 : memref<72x64xf32, #tpu.memory_space<vmem>>) offsets(%dma_start3A_268 : memref<72xi32, #tpu.memory_space<vmem>>) semaphore(%arg9 : memref<!tpu.dma_semaphore, #tpu.memory_space<semaphore_mem>>)
        } else {
        }
        %add3A_152 = arith.constant 1 : i32
        %add3A_153 = arith.addi %mul3A_39, %add3A_152 : i32
        %dma_wait3A_154 = arith.constant 0 : i32
        %dma_wait3A_155 = arith.constant 0 : i32
        %dma_wait3A_156 = tpu.memref_slice %arg7[%dma_wait3A_154, %dma_wait3A_155] : memref<200x64xf32, #tpu.memory_space<vmem>> -> memref<128x64xf32, #tpu.memory_space<vmem>>
        %dma_wait3A_157 = arith.constant 0 : i32
        %dma_wait3A_158 = tpu.memref_slice %arg5[%add3A_153, %dma_wait3A_157] : memref<64x200xi32, #tpu.memory_space<vmem>> -> memref<1x128xi32, #tpu.memory_space<vmem>>
        %dma_wait3A_159 = tpu.memref_squeeze %dma_wait3A_158 : memref<1x128xi32, #tpu.memory_space<vmem>> -> memref<128xi32, #tpu.memory_space<vmem>>
        %dma_wait3A_160 = arith.constant 0 : i32
        %dma_wait3A_161 = arith.constant 0 : i32
        %dma_wait3A_162 = tpu.memref_slice %arg3[%dma_wait3A_160, %dma_wait3A_161] : memref<1000000x64xf32, #tpu.memory_space<hbm>> -> memref<1000000x64xf32, #tpu.memory_space<hbm>>
        tpu.wait_indirect_dma semaphore(%arg10 : memref<!tpu.dma_semaphore, #tpu.memory_space<semaphore_mem>>) src(%dma_wait3A_162 : memref<1000000x64xf32, #tpu.memory_space<hbm>>) dst(%dma_wait3A_156 : memref<128x64xf32, #tpu.memory_space<vmem>>)
        %dma_wait3A_163 = arith.constant 128 : i32
        %dma_wait3A_164 = arith.constant 0 : i32
        %dma_wait3A_165 = tpu.memref_slice %arg7[%dma_wait3A_163, %dma_wait3A_164] : memref<200x64xf32, #tpu.memory_space<vmem>> -> memref<72x64xf32, #tpu.memory_space<vmem>>
        %dma_wait3A_166 = arith.constant 128 : i32
        %dma_wait3A_167 = tpu.memref_slice %arg5[%add3A_153, %dma_wait3A_166] : memref<64x200xi32, #tpu.memory_space<vmem>> -> memref<1x72xi32, #tpu.memory_space<vmem>>
        %dma_wait3A_168 = tpu.memref_squeeze %dma_wait3A_167 : memref<1x72xi32, #tpu.memory_space<vmem>> -> memref<72xi32, #tpu.memory_space<vmem>>
        %dma_wait3A_169 = arith.constant 0 : i32
        %dma_wait3A_170 = arith.constant 0 : i32
        %dma_wait3A_171 = tpu.memref_slice %arg3[%dma_wait3A_169, %dma_wait3A_170] : memref<1000000x64xf32, #tpu.memory_space<hbm>> -> memref<1000000x64xf32, #tpu.memory_space<hbm>>
        tpu.wait_indirect_dma semaphore(%arg10 : memref<!tpu.dma_semaphore, #tpu.memory_space<semaphore_mem>>) src(%dma_wait3A_171 : memref<1000000x64xf32, #tpu.memory_space<hbm>>) dst(%dma_wait3A_165 : memref<72x64xf32, #tpu.memory_space<vmem>>)
        %add3A_172 = arith.constant 1 : i32
        %add3A_173 = arith.addi %mul3A_39, %add3A_172 : i32
        %broadcast_in_dim3A_174 = arith.constant 0xFF800000 : f32
        %broadcast_in_dim3A_175 = vector.broadcast %broadcast_in_dim3A_174 : f32 to vector<16xf32>
        %broadcast_in_dim3A_176 = arith.constant 0xFF800000 : f32
        %broadcast_in_dim3A_177 = vector.broadcast %broadcast_in_dim3A_176 : f32 to vector<16xf32>
        %broadcast_in_dim3A_178 = arith.constant 0xFF800000 : f32
        %broadcast_in_dim3A_179 = vector.broadcast %broadcast_in_dim3A_178 : f32 to vector<16xf32>
        %broadcast_in_dim3A_180 = arith.constant 0xFF800000 : f32
        %broadcast_in_dim3A_181 = vector.broadcast %broadcast_in_dim3A_180 : f32 to vector<16xf32>
        %scan3A_182 = arith.constant 0 : i32
        %scan3A_183 = arith.constant 50 : i32
        %scan3A_184 = arith.addi %scan3A_182, %scan3A_183 : i32
        %scan3A_185 = arith.constant 1 : i32
        %scan3A_186:4 = scf.for %scan3A_252 = %scan3A_182 to %scan3A_184 step %scan3A_185 iter_args(%scan3A_253 = %broadcast_in_dim3A_175, %scan3A_254 = %broadcast_in_dim3A_177, %scan3A_255 = %broadcast_in_dim3A_179, %scan3A_256 = %broadcast_in_dim3A_181) -> (vector<16xf32>, vector<16xf32>, vector<16xf32>, vector<16xf32>)  : i32 {
          %mul3A_257 = arith.constant 4 : i32
          %mul3A_258 = arith.muli %scan3A_252, %mul3A_257 : i32
          %add3A_259 = arith.constant 0 : i32
          %add3A_260 = arith.addi %mul3A_258, %add3A_259 : i32
          %get3A = arith.index_cast %add3A_260 : i32 to index
          %get3A_261 = arith.constant 0 : index
          %get3A_262 = tpu.vector_load %arg7[%get3A, %get3A_261] {strides = array<i32>} : memref<200x64xf32, #tpu.memory_space<vmem>>, vector<1x16xf32>,
          %get3A_263 = vector.shape_cast %get3A_262 : vector<1x16xf32> to vector<16xf32>
          %max3A = arith.maximumf %scan3A_253, %get3A_263 : vector<16xf32>
          %get3A_264 = arith.index_cast %add3A_260 : i32 to index
          %get3A_265 = arith.constant 16 : index
          %get3A_266 = tpu.vector_load %arg7[%get3A_264, %get3A_265] {strides = array<i32>} : memref<200x64xf32, #tpu.memory_space<vmem>>, vector<1x16xf32>,
          %get3A_267 = vector.shape_cast %get3A_266 : vector<1x16xf32> to vector<16xf32>
          %max3A_268 = arith.maximumf %scan3A_254, %get3A_267 : vector<16xf32>
          %get3A_269 = arith.index_cast %add3A_260 : i32 to index
          %get3A_270 = arith.constant 32 : index
          %get3A_271 = tpu.vector_load %arg7[%get3A_269, %get3A_270] {strides = array<i32>} : memref<200x64xf32, #tpu.memory_space<vmem>>, vector<1x16xf32>,
          %get3A_272 = vector.shape_cast %get3A_271 : vector<1x16xf32> to vector<16xf32>
          %max3A_273 = arith.maximumf %scan3A_255, %get3A_272 : vector<16xf32>
          %get3A_274 = arith.index_cast %add3A_260 : i32 to index
          %get3A_275 = arith.constant 48 : index
          %get3A_276 = tpu.vector_load %arg7[%get3A_274, %get3A_275] {strides = array<i32>} : memref<200x64xf32, #tpu.memory_space<vmem>>, vector<1x16xf32>,
          %get3A_277 = vector.shape_cast %get3A_276 : vector<1x16xf32> to vector<16xf32>
          %max3A_278 = arith.maximumf %scan3A_256, %get3A_277 : vector<16xf32>
          %mul3A_279 = arith.constant 4 : i32
          %mul3A_280 = arith.muli %scan3A_252, %mul3A_279 : i32
          %add3A_281 = arith.constant 1 : i32
          %add3A_282 = arith.addi %mul3A_280, %add3A_281 : i32
          %get3A_283 = arith.index_cast %add3A_282 : i32 to index
          %get3A_284 = arith.constant 0 : index
          %get3A_285 = tpu.vector_load %arg7[%get3A_283, %get3A_284] {strides = array<i32>} : memref<200x64xf32, #tpu.memory_space<vmem>>, vector<1x16xf32>,
          %get3A_286 = vector.shape_cast %get3A_285 : vector<1x16xf32> to vector<16xf32>
          %max3A_287 = arith.maximumf %max3A, %get3A_286 : vector<16xf32>
          %get3A_288 = arith.index_cast %add3A_282 : i32 to index
          %get3A_289 = arith.constant 16 : index
          %get3A_290 = tpu.vector_load %arg7[%get3A_288, %get3A_289] {strides = array<i32>} : memref<200x64xf32, #tpu.memory_space<vmem>>, vector<1x16xf32>,
          %get3A_291 = vector.shape_cast %get3A_290 : vector<1x16xf32> to vector<16xf32>
          %max3A_292 = arith.maximumf %max3A_268, %get3A_291 : vector<16xf32>
          %get3A_293 = arith.index_cast %add3A_282 : i32 to index
          %get3A_294 = arith.constant 32 : index
          %get3A_295 = tpu.vector_load %arg7[%get3A_293, %get3A_294] {strides = array<i32>} : memref<200x64xf32, #tpu.memory_space<vmem>>, vector<1x16xf32>,
          %get3A_296 = vector.shape_cast %get3A_295 : vector<1x16xf32> to vector<16xf32>
          %max3A_297 = arith.maximumf %max3A_273, %get3A_296 : vector<16xf32>
          %get3A_298 = arith.index_cast %add3A_282 : i32 to index
          %get3A_299 = arith.constant 48 : index
          %get3A_300 = tpu.vector_load %arg7[%get3A_298, %get3A_299] {strides = array<i32>} : memref<200x64xf32, #tpu.memory_space<vmem>>, vector<1x16xf32>,
          %get3A_301 = vector.shape_cast %get3A_300 : vector<1x16xf32> to vector<16xf32>
          %max3A_302 = arith.maximumf %max3A_278, %get3A_301 : vector<16xf32>
          %mul3A_303 = arith.constant 4 : i32
          %mul3A_304 = arith.muli %scan3A_252, %mul3A_303 : i32
          %add3A_305 = arith.constant 2 : i32
          %add3A_306 = arith.addi %mul3A_304, %add3A_305 : i32
          %get3A_307 = arith.index_cast %add3A_306 : i32 to index
          %get3A_308 = arith.constant 0 : index
          %get3A_309 = tpu.vector_load %arg7[%get3A_307, %get3A_308] {strides = array<i32>} : memref<200x64xf32, #tpu.memory_space<vmem>>, vector<1x16xf32>,
          %get3A_310 = vector.shape_cast %get3A_309 : vector<1x16xf32> to vector<16xf32>
          %max3A_311 = arith.maximumf %max3A_287, %get3A_310 : vector<16xf32>
          %get3A_312 = arith.index_cast %add3A_306 : i32 to index
          %get3A_313 = arith.constant 16 : index
          %get3A_314 = tpu.vector_load %arg7[%get3A_312, %get3A_313] {strides = array<i32>} : memref<200x64xf32, #tpu.memory_space<vmem>>, vector<1x16xf32>,
          %get3A_315 = vector.shape_cast %get3A_314 : vector<1x16xf32> to vector<16xf32>
          %max3A_316 = arith.maximumf %max3A_292, %get3A_315 : vector<16xf32>
          %get3A_317 = arith.index_cast %add3A_306 : i32 to index
          %get3A_318 = arith.constant 32 : index
          %get3A_319 = tpu.vector_load %arg7[%get3A_317, %get3A_318] {strides = array<i32>} : memref<200x64xf32, #tpu.memory_space<vmem>>, vector<1x16xf32>,
          %get3A_320 = vector.shape_cast %get3A_319 : vector<1x16xf32> to vector<16xf32>
          %max3A_321 = arith.maximumf %max3A_297, %get3A_320 : vector<16xf32>
          %get3A_322 = arith.index_cast %add3A_306 : i32 to index
          %get3A_323 = arith.constant 48 : index
          %get3A_324 = tpu.vector_load %arg7[%get3A_322, %get3A_323] {strides = array<i32>} : memref<200x64xf32, #tpu.memory_space<vmem>>, vector<1x16xf32>,
          %get3A_325 = vector.shape_cast %get3A_324 : vector<1x16xf32> to vector<16xf32>
          %max3A_326 = arith.maximumf %max3A_302, %get3A_325 : vector<16xf32>
          %mul3A_327 = arith.constant 4 : i32
          %mul3A_328 = arith.muli %scan3A_252, %mul3A_327 : i32
          %add3A_329 = arith.constant 3 : i32
          %add3A_330 = arith.addi %mul3A_328, %add3A_329 : i32
          %get3A_331 = arith.index_cast %add3A_330 : i32 to index
          %get3A_332 = arith.constant 0 : index
          %get3A_333 = tpu.vector_load %arg7[%get3A_331, %get3A_332] {strides = array<i32>} : memref<200x64xf32, #tpu.memory_space<vmem>>, vector<1x16xf32>,
          %get3A_334 = vector.shape_cast %get3A_333 : vector<1x16xf32> to vector<16xf32>
          %max3A_335 = arith.maximumf %max3A_311, %get3A_334 : vector<16xf32>
          %get3A_336 = arith.index_cast %add3A_330 : i32 to index
          %get3A_337 = arith.constant 16 : index
          %get3A_338 = tpu.vector_load %arg7[%get3A_336, %get3A_337] {strides = array<i32>} : memref<200x64xf32, #tpu.memory_space<vmem>>, vector<1x16xf32>,
          %get3A_339 = vector.shape_cast %get3A_338 : vector<1x16xf32> to vector<16xf32>
          %max3A_340 = arith.maximumf %max3A_316, %get3A_339 : vector<16xf32>
          %get3A_341 = arith.index_cast %add3A_330 : i32 to index
          %get3A_342 = arith.constant 32 : index
          %get3A_343 = tpu.vector_load %arg7[%get3A_341, %get3A_342] {strides = array<i32>} : memref<200x64xf32, #tpu.memory_space<vmem>>, vector<1x16xf32>,
          %get3A_344 = vector.shape_cast %get3A_343 : vector<1x16xf32> to vector<16xf32>
          %max3A_345 = arith.maximumf %max3A_321, %get3A_344 : vector<16xf32>
          %get3A_346 = arith.index_cast %add3A_330 : i32 to index
          %get3A_347 = arith.constant 48 : index
          %get3A_348 = tpu.vector_load %arg7[%get3A_346, %get3A_347] {strides = array<i32>} : memref<200x64xf32, #tpu.memory_space<vmem>>, vector<1x16xf32>,
          %get3A_349 = vector.shape_cast %get3A_348 : vector<1x16xf32> to vector<16xf32>
          %max3A_350 = arith.maximumf %max3A_326, %get3A_349 : vector<16xf32>
          scf.yield %max3A_335, %max3A_340, %max3A_345, %max3A_350 : vector<16xf32>, vector<16xf32>, vector<16xf32>, vector<16xf32>
        }
        %scan3A_187 = arith.constant 50 : i32
        %add3A_188 = arith.addf %scan3A_186#0, %scan3A_186#0 : vector<16xf32>
        %exp3A_189 = math.exp %add3A_188 : vector<16xf32>
        %add3A_190 = arith.constant 1.000000e+00 : f32
        %add3A_191 = vector.broadcast %add3A_190 : f32 to vector<16xf32>
        %add3A_192 = arith.addf %exp3A_189, %add3A_191 : vector<16xf32>
        %div3A_193 = arith.constant 2.000000e+00 : f32
        %div3A_194 = vector.broadcast %div3A_193 : f32 to vector<16xf32>
        %div3A_195 = arith.divf %div3A_194, %add3A_192 : vector<16xf32>
        %sub3A_196 = arith.constant 1.000000e+00 : f32
        %sub3A_197 = vector.broadcast %sub3A_196 : f32 to vector<16xf32>
        %sub3A_198 = arith.subf %sub3A_197, %div3A_195 : vector<16xf32>
        %swap3A_199 = arith.index_cast %add3A_173 : i32 to index
        %swap3A_200 = arith.constant 0 : index
        %swap3A_201 = tpu.vector_load %arg8[%swap3A_199, %swap3A_200] {strides = array<i32>} : memref<64x64xf32, #tpu.memory_space<vmem>>, vector<1x16xf32>,
        %swap3A_202 = vector.shape_cast %swap3A_201 : vector<1x16xf32> to vector<16xf32>
        %swap3A_203 = vector.shape_cast %sub3A_198 : vector<16xf32> to vector<1x16xf32>
        tpu.vector_store %arg8[%swap3A_199, %swap3A_200], %swap3A_203 {strides = array<i32>} : memref<64x64xf32, #tpu.memory_space<vmem>>, vector<1x16xf32>,
        %add3A_204 = arith.addf %scan3A_186#1, %scan3A_186#1 : vector<16xf32>
        %exp3A_205 = math.exp %add3A_204 : vector<16xf32>
        %add3A_206 = arith.constant 1.000000e+00 : f32
        %add3A_207 = vector.broadcast %add3A_206 : f32 to vector<16xf32>
        %add3A_208 = arith.addf %exp3A_205, %add3A_207 : vector<16xf32>
        %div3A_209 = arith.constant 2.000000e+00 : f32
        %div3A_210 = vector.broadcast %div3A_209 : f32 to vector<16xf32>
        %div3A_211 = arith.divf %div3A_210, %add3A_208 : vector<16xf32>
        %sub3A_212 = arith.constant 1.000000e+00 : f32
        %sub3A_213 = vector.broadcast %sub3A_212 : f32 to vector<16xf32>
        %sub3A_214 = arith.subf %sub3A_213, %div3A_211 : vector<16xf32>
        %swap3A_215 = arith.index_cast %add3A_173 : i32 to index
        %swap3A_216 = arith.constant 16 : index
        %swap3A_217 = tpu.vector_load %arg8[%swap3A_215, %swap3A_216] {strides = array<i32>} : memref<64x64xf32, #tpu.memory_space<vmem>>, vector<1x16xf32>,
        %swap3A_218 = vector.shape_cast %swap3A_217 : vector<1x16xf32> to vector<16xf32>
        %swap3A_219 = vector.shape_cast %sub3A_214 : vector<16xf32> to vector<1x16xf32>
        tpu.vector_store %arg8[%swap3A_215, %swap3A_216], %swap3A_219 {strides = array<i32>} : memref<64x64xf32, #tpu.memory_space<vmem>>, vector<1x16xf32>,
        %add3A_220 = arith.addf %scan3A_186#2, %scan3A_186#2 : vector<16xf32>
        %exp3A_221 = math.exp %add3A_220 : vector<16xf32>
        %add3A_222 = arith.constant 1.000000e+00 : f32
        %add3A_223 = vector.broadcast %add3A_222 : f32 to vector<16xf32>
        %add3A_224 = arith.addf %exp3A_221, %add3A_223 : vector<16xf32>
        %div3A_225 = arith.constant 2.000000e+00 : f32
        %div3A_226 = vector.broadcast %div3A_225 : f32 to vector<16xf32>
        %div3A_227 = arith.divf %div3A_226, %add3A_224 : vector<16xf32>
        %sub3A_228 = arith.constant 1.000000e+00 : f32
        %sub3A_229 = vector.broadcast %sub3A_228 : f32 to vector<16xf32>
        %sub3A_230 = arith.subf %sub3A_229, %div3A_227 : vector<16xf32>
        %swap3A_231 = arith.index_cast %add3A_173 : i32 to index
        %swap3A_232 = arith.constant 32 : index
        %swap3A_233 = tpu.vector_load %arg8[%swap3A_231, %swap3A_232] {strides = array<i32>} : memref<64x64xf32, #tpu.memory_space<vmem>>, vector<1x16xf32>,
        %swap3A_234 = vector.shape_cast %swap3A_233 : vector<1x16xf32> to vector<16xf32>
        %swap3A_235 = vector.shape_cast %sub3A_230 : vector<16xf32> to vector<1x16xf32>
        tpu.vector_store %arg8[%swap3A_231, %swap3A_232], %swap3A_235 {strides = array<i32>} : memref<64x64xf32, #tpu.memory_space<vmem>>, vector<1x16xf32>,
        %add3A_236 = arith.addf %scan3A_186#3, %scan3A_186#3 : vector<16xf32>
        %exp3A_237 = math.exp %add3A_236 : vector<16xf32>
        %add3A_238 = arith.constant 1.000000e+00 : f32
        %add3A_239 = vector.broadcast %add3A_238 : f32 to vector<16xf32>
        %add3A_240 = arith.addf %exp3A_237, %add3A_239 : vector<16xf32>
        %div3A_241 = arith.constant 2.000000e+00 : f32
        %div3A_242 = vector.broadcast %div3A_241 : f32 to vector<16xf32>
        %div3A_243 = arith.divf %div3A_242, %add3A_240 : vector<16xf32>
        %sub3A_244 = arith.constant 1.000000e+00 : f32
        %sub3A_245 = vector.broadcast %sub3A_244 : f32 to vector<16xf32>
        %sub3A_246 = arith.subf %sub3A_245, %div3A_243 : vector<16xf32>
        %swap3A_247 = arith.index_cast %add3A_173 : i32 to index
        %swap3A_248 = arith.constant 48 : index
        %swap3A_249 = tpu.vector_load %arg8[%swap3A_247, %swap3A_248] {strides = array<i32>} : memref<64x64xf32, #tpu.memory_space<vmem>>, vector<1x16xf32>,
        %swap3A_250 = vector.shape_cast %swap3A_249 : vector<1x16xf32> to vector<16xf32>
        %swap3A_251 = vector.shape_cast %sub3A_246 : vector<16xf32> to vector<1x16xf32>
        tpu.vector_store %arg8[%swap3A_247, %swap3A_248], %swap3A_251 {strides = array<i32>} : memref<64x64xf32, #tpu.memory_space<vmem>>, vector<1x16xf32>,
      }
      %scan3A_36 = arith.constant 32 : i32
      "tpu.region"() ({
        %run_scoped3A = tpu.sem_alloc : memref<!tpu.dma_semaphore, #tpu.memory_space<semaphore_mem>>
        %dma_start3A_37 = arith.constant 0 : i32
        %dma_start3A_38 = tpu.memref_slice %arg4[%add3A_11, %dma_start3A_37] : memref<16384x64xf32, #tpu.memory_space<hbm>> -> memref<64x64xf32, #tpu.memory_space<hbm>>
        %dma_start3A_39 = arith.constant 0 : i32
        %dma_start3A_40 = tpu.memref_slice %arg4[%add3A_11, %dma_start3A_39] : memref<16384x64xf32, #tpu.memory_space<hbm>> -> memref<64x64xf32, #tpu.memory_space<hbm>>
        tpu.enqueue_dma source(%arg8 : memref<64x64xf32, #tpu.memory_space<vmem>>) target(%dma_start3A_40 : memref<64x64xf32, #tpu.memory_space<hbm>>) target_semaphore(%run_scoped3A : memref<!tpu.dma_semaphore, #tpu.memory_space<semaphore_mem>>)
        %dma_wait3A = arith.constant 0 : i32
        %dma_wait3A_41 = tpu.memref_slice %arg4[%add3A_11, %dma_wait3A] : memref<16384x64xf32, #tpu.memory_space<hbm>> -> memref<64x64xf32, #tpu.memory_space<hbm>>
        %dma_wait3A_42 = arith.constant 0 : i32
        %dma_wait3A_43 = tpu.memref_slice %arg4[%add3A_11, %dma_wait3A_42] : memref<16384x64xf32, #tpu.memory_space<hbm>> -> memref<64x64xf32, #tpu.memory_space<hbm>>
        tpu.wait_dma2 semaphore(%run_scoped3A : memref<!tpu.dma_semaphore, #tpu.memory_space<semaphore_mem>>) src(%arg8 : memref<64x64xf32, #tpu.memory_space<vmem>>) dst(%dma_wait3A_43 : memref<64x64xf32, #tpu.memory_space<hbm>>)
        tpu.yield
      }) : () -> ()
    }
    %scan3A_7 = arith.constant 8 : i32
    return
  }
}

</mosaic_0001>

<sc_bundles>
// kernel: kernel.3.cloned.1.call-start
scs
__scs_entry_jumppad:
0x0: {  	(pc) =	sbr.rel $0x88, $3  }
0x1: {  	(tag) =	ssettag $0x0;
	lr =	simm.s32 $0x1  }
0x2: {  	[smem:$0x3F9F] =	sst lr;
	_ =	strace $0xD0000000  }
0x3: {  	_ = 	snop  }
0x4: {  	_ = 	snop  }
0x5: {  	_ = 	snop  }
0x6: {  	_ = 	snop  }
0x7: {  	_ = 	snop  }
__scs_overlays_trampoline_lowered:
0x8: {  	[smem:$0x3FAE] =	sst s0  }
0x9: {  	[smem:$0x3FAF] =	sst s1  }
0xa: {  	[smem:$0x3FB0] =	sst s2  }
0xb: {  	[smem:$0x3FB1] =	sst s3  }
0xc: {  	[smem:$0x3FB2] =	sst s4  }
0xd: {  	[smem:$0x3FB3] =	sst s5  }
0xe: {  	[smem:$0x3FB4] =	sst s6  }
0xf: {  	[smem:$0x3FB5] =	sst s7  }
0x10: {  	[smem:$0x3FB6] =	sst s8  }
0x11: {  	[smem:$0x3FB7] =	sst s9;
	s0 =	simm.s32 @!p0 $0x0  }
0x12: {  	s1 =	sld [smem:$0x3F9D];
	s0 =	simm.s32 @p0 $0x1  }
0x13: {  	[smem:$0x3FB8] =	sst s0;
	s0 =	simm.s32 @!p1 $0x0  }
0x14: {  	s2 =	sld [smem:$0x3F9C];
	s0 =	simm.s32 @p1 $0x1  }
0x15: {  	[smem:$0x3FB9] =	sst s0;
	s0 =	simm.s32 @!p2 $0x0  }
0x16: {  	s3 =	sld [smem:$0x3FDB];
	s0 =	simm.s32 @p2 $0x1  }
0x17: {  	s4 =	simm.s32 $0x1BF5;
	[smem:$0x3FBB] =	sst s0  }
0x18: {  	s0 =	sld [smem:$0x3F9E];
	_ =	swait.ge [sflag:s4], $0x0  }
0x19: {  	s7 =	sld [smem:$0x3F9F]  }
0x1a: {  	s8 =	sadd.s32 $0xFFFFE003, lr  }
0x1b: {  	s9 =	sadd.s32 $0xFFFFFEF7, lr;
	s5 =	simm.s32 $0xFFFFFFFF;
	p2 =	slt.u32 s8, $0xFFFFF086  }
0x1c: {  	p1 =	slt.u32 s9, $0xF7A;
	s5 =	simm.s32 @!p2 $0x0  }
0x1d: {  	s5 =	simm.s32 @p1 $0x1;
	p0 =	seq.s32 s7, s2  }
0x1e: {  	s7 =	smul.u32 @!p0 $0xF7A, s2;
	p2 =	seq.s32 @!p0 s5, $0x0  }
0x1f: {  	s9 =	smul.u32 $0xF7A, s1;
	s8 =	simm.s32 @!p0 $0x1BF5;
	p2 =	por !p2, p0  }
0x20: {  	[sflag:s8] =	ssyncset.s32 @!p0 $0xFFFFF086;
	s6 =	sadd.s32 @!p0 s3, s7;
	s7 =	simm.s32 @!p0 $0x108  }
0x21: {  	s3 =	sadd.s32 s3, s9;
	s6 =	sadd.s32 @!p0 $0x88, s6;
	s7 =	simm.s32 @p2 $0x1082  }
0x22: {  	[simem:s7], [sflag:s8] =	dma.local @!p0 [hbm:s6], $0xF7A  }
0x23: {  	s9 =	sor.u32 $0xD0000000, s2;
	s6 =	simm.s32 $0x108;
	_ =	swait.ge @!p0 [sflag:s8], $0x0  }
0x24: {  	s3 =	sadd.s32 $0x88, s3;
	s6 =	simm.s32 @!p1 $0x1082;
	[sflag:s4] =	ssyncset.s32 $0xFFFFF086  }
0x25: {  	[simem:s6], [sflag:s4] =	dma.local [hbm:s3], $0xF7A  }
0x26: {  	[smem:$0x3F9F] =	sst s1;
	(tag) =	ssettag s2;
	_ =	strace s9  }
0x27: {  	s1 =	sld [smem:$0x3FAF]  }
0x28: {  	s2 =	sld [smem:$0x3FB0]  }
0x29: {  	s4 =	sld [smem:$0x3FB2]  }
0x2a: {  	p0 =	seq.s32 s5, $0x0;
	s5 =	sld [smem:$0x3FB3]  }
0x2b: {  	s6 =	sld [smem:$0x3FB4]  }
0x2c: {  	s7 =	sld [smem:$0x3FB5]  }
0x2d: {  	s3 =	simm.s32 $0x108;
	s8 =	sld [smem:$0x3FB6]  }
0x2e: {  	s3 =	simm.s32 @!p0 $0x1082;
	s9 =	sld [smem:$0x3FB7]  }
0x2f: {  	lr =	sadd.s32 s0, s3;
	s0 =	sld [smem:$0x3FAE]  }
0x30: {  	s3 =	sld [smem:$0x3FB1]  }
0x31: {  	[smem:$0x3FBA] =	sst s10  }
0x32: {  	s10 =	sld [smem:$0x3FB8];
	_ =	sdelay $0x3  }
0x33: {  	p0 =	seq.s32 s10, $0x1;
	s10 =	sld [smem:$0x3FBA];
	_ =	sdelay $0x3  }
0x34: {  	[smem:$0x3FBA] =	sst s10  }
0x35: {  	s10 =	sld [smem:$0x3FB9];
	_ =	sdelay $0x3  }
0x36: {  	p1 =	seq.s32 s10, $0x1;
	s10 =	sld [smem:$0x3FBA];
	_ =	sdelay $0x3  }
0x37: {  	[smem:$0x3FBA] =	sst s10  }
0x38: {  	s10 =	sld [smem:$0x3FBB]  }
0x39: {  	_ = 	snop;
	(pc) =	sbr.ind lr, $3  }
0x3a: {  	_ = 	snop  }
0x3b: {  	_ = 	snop  }
0x3c: {  	p2 =	seq.s32 s10, $0x1;
	s10 =	sld [smem:$0x3FBA]  }
0x3d: {  	_ =	shalt  }
0x3e: {  	_ =	shalt  }
0x3f: {  	_ =	shalt  }
0x40: {  	_ =	shalt  }
0x41: {  	_ =	shalt  }
0x42: {  	_ =	shalt  }
0x43: {  	_ =	shalt  }
0x44: {  	_ =	shalt  }
0x45: {  	_ =	shalt  }
0x46: {  	_ =	shalt  }
0x47: {  	_ =	shalt  }
0x48: {  	_ =	shalt  }
0x49: {  	_ =	shalt  }
0x4a: {  	_ =	shalt  }
0x4b: {  	_ =	shalt  }
0x4c: {  	_ =	shalt  }
0x4d: {  	_ =	shalt  }
0x4e: {  	_ =	shalt  }
0x4f: {  	_ =	shalt  }
0x50: {  	_ =	shalt  }
0x51: {  	_ =	shalt  }
0x52: {  	_ =	shalt  }
0x53: {  	_ =	shalt  }
0x54: {  	_ =	shalt  }
0x55: {  	_ =	shalt  }
0x56: {  	_ =	shalt  }
0x57: {  	_ =	shalt  }
0x58: {  	_ =	shalt  }
0x59: {  	_ =	shalt  }
0x5a: {  	_ =	shalt  }
0x5b: {  	_ =	shalt  }
0x5c: {  	_ =	shalt  }
0x5d: {  	_ =	shalt  }
0x5e: {  	_ =	shalt  }
0x5f: {  	_ =	shalt  }
0x60: {  	_ =	shalt  }
0x61: {  	_ =	shalt  }
0x62: {  	_ =	shalt  }
0x63: {  	_ =	shalt  }
0x64: {  	_ =	shalt  }
0x65: {  	_ =	shalt  }
0x66: {  	_ =	shalt  }
0x67: {  	_ =	shalt  }
0x68: {  	_ =	shalt  }
0x69: {  	_ =	shalt  }
0x6a: {  	_ =	shalt  }
0x6b: {  	_ =	shalt  }
0x6c: {  	_ =	shalt  }
0x6d: {  	_ =	shalt  }
0x6e: {  	_ =	shalt  }
0x6f: {  	_ =	shalt  }
0x70: {  	_ =	shalt  }
0x71: {  	_ =	shalt  }
0x72: {  	_ =	shalt  }
0x73: {  	_ =	shalt  }
0x74: {  	_ =	shalt  }
0x75: {  	_ =	shalt  }
0x76: {  	_ =	shalt  }
0x77: {  	_ =	shalt  }
0x78: {  	_ =	shalt  }
0x79: {  	_ =	shalt  }
0x7a: {  	_ =	shalt  }
0x7b: {  	_ =	shalt  }
0x7c: {  	_ =	shalt  }
0x7d: {  	_ =	shalt  }
0x7e: {  	_ =	shalt  }
0x7f: {  	_ =	shalt  }
0x80: {  	_ =	shalt  }
0x81: {  	_ =	shalt  }
0x82: {  	_ =	shalt  }
0x83: {  	_ =	shalt  }
0x84: {  	_ =	shalt  }
0x85: {  	_ =	shalt  }
0x86: {  	_ =	shalt  }
0x87: {  	_ =	shalt  }
.Lfunc_end0:
.L_simem_size_0:
called_computation_lowered:
.L_overlay_start_0:
0x88: {  	s2 =	sld [smem:$0x3FD9]  }
0x89: {  	s3 =	sld [smem:$0x3FFE];
	_ =	sdelay $0x1  }
0x8a: {  	s1 =	srdreg.scid  }
0x8b: {  	s0 =	sand.u32 $0x1, s1  }
0x8c: {  	s17 =	sshll.u32 s0, $0xA;
	s2 =	sadd.s32 s3, s2  }
0x8d: {  	s2 =	sadd.s32 s2, s17  }
0x8e: {  	[smem:$0x3FC6] =	sst s2  }
0x8f: {  	_ = 	snop  }
0x90: {  	s2 =	sld [smem:$0x3FD0];
	(tm) =	ssettm $0x1  }
0x91: {  	s18 =	sld [smem:$0x3FFB];
	_ =	sdelay $0x3  }
0x92: {  	_ =	strace s18  }
0x93: {  	s3 =	sld [smem:$0x3FFC];
	_ =	sdelay $0x3  }
0x94: {  	_ =	strace s3  }
0x95: {  	s3 =	sld [smem:$0x3FFD];
	_ =	sdelay $0x3  }
0x96: {  	_ =	strace s3  }
0x97: {  	_ =	strace $0x8FFFFFFF  }
0x98: {  	s19 =	sld [smem:$0x3FDB];
	_ =	sdelay $0x1  }
0x99: {  	s4 =	simm.s32 $_scs_section_size  }
0x9a: {  	s5 =	simm.s32 $_size__tile_overlayer_lowered;
	s6 =	simm.s32 $_tile_overlayer_lowered  }
0x9b: {  	s22 =	simm.s32 $0x1BFF;
	s21 =	sshll.u32 s6, $0x1;
	s3 =	sadd.s32 s4, s19  }
0x9c: {  	s7 =	simm.s32 $0x0;
	s20 =	sshll.u32 s5, $0x1;
	s5 =	sadd.s32 s21, s3  }
0x9d: {  	[timem:s7], [sflag:s22] =	dma.local [hbm:s5], s20  }
0x9e: {  	_ =	swait.ge [sflag:s22], s20  }
0x9f: {  	s4 =	ssub.s32 $0x0, s20;
	[sflag:s22] =	ssyncset.done $0x0  }
0xa0: {  	[sflag:s22] =	ssyncadd.s32 s4;
	_ =	sdelay $0x1  }
0xa1: {  	s23 =	simm.s32 $0x1B8B  }
0xa2: {  	_ =	swait.ge [sflag:s23], $0x1  }
0xa3: {  	[sflag:s23] =	ssyncset.done $0x0  }
0xa4: {  	s25 =	simm.s32 $0x1B8E;
	s24 =	sld [smem:$0x3FFE];
	[sflag:s23] =	ssyncadd.s32 $0xFFFFFFFF  }
0xa5: {  	s26 =	simm.s32 $execute0_lowered;
	[smem:$0x3FD2] =	sst s25  }
0xa6: {  	s5 =	sshll.u32 s26, $0x1;
	_ =	strace $0x80000046;
	[dreg:$0x1] =	wrdreg $0xFFFFFFFF  }
0xa7: {  	s28 =	simm.s32 $_size_execute0_lowered;
	s3 =	sadd.s32 s3, s5;
	[dreg:$0x0] =	wrdreg $0x0  }
0xa8: {  	s5 =	sshll.u32 s28, $0x1;
	[dreg:$0x2] =	wrdreg s3  }
0xa9: {  	[dreg:$0x3] =	wrdreg s5  }
0xaa: {  	[dreg:$0x4] =	wrdreg $0xC0  }
0xab: {  	_ =	task [dreg:s7], $0x5FFFF  }
0xac: {  	[dreg:$0x1] =	wrdreg $0xFFFFFFFF  }
0xad: {  	[dreg:$0x0] =	wrdreg $0x60  }
0xae: {  	[dreg:$0x2] =	wrdreg s24  }
0xaf: {  	[dreg:$0x3] =	wrdreg s2  }
0xb0: {  	[dreg:$0x4] =	wrdreg $0x9  }
0xb1: {  	_ =	task.clear_ibuf [dreg:s7], $0x5FFFF;
	_ =	strace $0x90000046  }
0xb2: {  	s29 =	simm.s32 $0x9;
	_ =	strace $0x80000048  }
0xb3: {  	_ =	swait.ge [sflag:s29], $0x1  }
0xb4: {  	[sflag:s29] =	ssyncadd.s32 $0xFFFFFFFF  }
0xb5: {  	_ =	strace $0x90000048  }
0xb6: {  	_ =	sfence  }
0xb7: {  	s30 =	sld [smem:$0x0];
	_ =	sdelay $0x2  }
0xb8: {  	s31 =	sshll.u32 s1, $0xD;
	s1 =	sshrl.u32 s1, $0x2  }
0xb9: {  	s3 =	sand.u32 $0x4000, s31;
	s1 =	sadd.s32 s1, s30  }
0xba: {  	s0 =	sor.u32 s3, s0;
	s1 =	sshll.u32 s1, $0x11  }
0xbb: {  	s0 =	sor.u32 s1, s0  }
0xbc: {  	s0 =	sadd.s32 $0x8F2B, s0  }
0xbd: {  	[sflag:s0] =	ssyncadd.remote.s32 $0x1  }
0xbe: {  	_ =	sfence.sel $0xFFFF  }
0xbf: {  	[dreg:$0x0] =	wrdreg $0xFFFFFFFF;
	(pc) =	sbr.abs _section_cstart, $3  }
0xc0: {  	[dreg:$0x1] =	wrdreg $0xFFFFFFFF  }
0xc1: {  	_ =	task.clear_ibuf [dreg:s7], $0x2FFFF;
	_ =	strace $0x9FFFFFFF  }
0xc2: {  	(tm) =	ssettm $0x7FFFFFFF  }
0xc3: {  	_ =	shalt  }
tec
execute0_lowered:
.L_overlay_start_1:
0x0: {  	(tag) =	ssettag $0x1  }
0x1: {  	s5 =	rddreg [dreg:$0x0]  }
0x2: {  	s1 =	rddreg [dreg:$0x1]  }
0x3: {  	s0 =	rddreg [dreg:$0x2];
	s2 =	simm.s32 $0x0;
	s3 =	srdreg.scid  }
0x4: {  	s10 =	simm.s32 $0x3200;
	s11 =	simm.s32 $0x48;
	s12 =	simm.s32 $0x5200  }
0x5: {  	s13 =	simm.s32 $0x6400;
	s14 =	simm.s32 $0x8400;
	s15 =	simm.s32 $0x1  }
0x6: {  	s16 =	simm.s32 $0x2;
	s17 =	simm.s32 $0x9600;
	s18 =	simm.s32 $0x0  }
0x7: {  	[smem:$0x7FF] =	sst s2;
	s6 =	sand.u32 $0x1, s3;
	s4 =	sadd.s32 $0x600, s5  }
0x8: {  	s3 =	stileid.u32;
	s5 =	sadd.s32 $0xF42A00, s5;
	s7 =	ssub.s32 $0x2, s6  }
0x9: {  	s9 =	sshll.u32 s3, $0xA;
	s6 =	sshll.u32 s6, $0x9;
	s8 =	sshrl.u32 s7, $0x1  }
0xa: {  	_ =	strace $0x80000047;
	s6 =	sor.u32 s6, s9;
	s7 =	ssub.s32 s7, s8  }
0xb: {  	s9 =	simm.s32 $0x80;
	s8 =	simm.s32 $0x3;
	s7 =	smax.u32 s7, $0x1  }
.LBB2_1:
0xc: {  	s19 =	simm.s32 $0x0  }
.LBB2_2:
0xd: {  	s20 =	sshll.u32 s19, $0x6  }
0xe: {  	s20 =	sadd.s32 s6, s20  }
0xf: {  	s21 =	smul.u32 $0x19, s20;
	_ =	sdelay $0x1  }
0x10: {  	s22 =	sadd.s32 s4, s21;
	s21 =	simm.s32 $0x0  }
0x11: {  	[tilespmem:s21], [sflag:$0x3] =	stream.linear.gather [hbm4b:s22+s21], $0x3200, $0x38;
	[tilespmem:$0xA600] =	vst v63  }
0x12: {  	_ =	swait.ge [sflag:s8], $0x3200  }
0x13: {  	[sflag:s8] =	ssyncset.done $0x0  }
0x14: {  	[sflag:s8] =	ssyncadd.s32 $0xFFFFCE00  }
0x15: {  	[tilespmem:s10], [sflag:$0x1] =	stream.indirect.gather [hbm4b:s5+s9], $0x40, s21, s9, $0xb8;
	[tilespmem:$0xA600] =	vst v63  }
0x16: {  	_ = 	snop  }
0x17: {  	[tilespmem:s12], [sflag:$0x1] =	stream.indirect.gather [hbm4b:s5+s11], $0x40, s9, s11, $0xb8;
	[tilespmem:$0xA600] =	vst v63  }
.LBB2_3:
0x18: {  	s22 =	sshllo.u32 s21, $0x1  }
0x19: {  	s23 =	smul.u32 $0x320, s22;
	_ =	sdelay $0x1  }
0x1a: {  	s23 =	sshra.s32 s23, $0x2  }
0x1b: {  	[tilespmem:s13], [sflag:$0x2] =	stream.indirect.gather [hbm4b:s5+s9], $0x40, s23, s9, $0xb8;
	[tilespmem:$0xA600] =	vst v63  }
0x1c: {  	s23 =	sadd.s32 $0x80, s23  }
0x1d: {  	[tilespmem:s14], [sflag:$0x2] =	stream.indirect.gather [hbm4b:s5+s11], $0x40, s23, s11, $0xb8;
	[tilespmem:$0xA600] =	vst v63  }
0x1e: {  	_ =	swait.ge [sflag:s15], $0x2000  }
0x1f: {  	[sflag:s15] =	ssyncset.done $0x0  }
0x20: {  	[sflag:s15] =	ssyncadd.s32 $0xFFFFE000  }
0x21: {  	_ =	swait.ge [sflag:s15], $0x1200  }
0x22: {  	[sflag:s15] =	ssyncset.done $0x0  }
0x23: {  	s23 =	simm.s32 $0x0;
	[sflag:s15] =	ssyncadd.s32 $0xFFFFEE00  }
0x24: {  	v3 =	vld [tilespmem:s23+$0x32C0]  }
0x25: {  	v2 =	vld [tilespmem:s23+$0x32D0]  }
0x26: {  	v0 =	vld [tilespmem:s23+$0x32E0]  }
0x27: {  	v8 =	vld [tilespmem:s23+$0x3280]  }
0x28: {  	v5 =	vld [tilespmem:s23+$0x3290]  }
0x29: {  	v1 =	vld [tilespmem:s23+$0x32A0]  }
0x2a: {  	v14 =	vld [tilespmem:s23+$0x3240]  }
0x2b: {  	v9 =	vld [tilespmem:s23+$0x3250]  }
0x2c: {  	v15 =	vld [tilespmem:s23+$0x3200]  }
0x2d: {  	v7 =	vld [tilespmem:s23+$0x3260]  }
0x2e: {  	v10 =	vimm.f32 $-Inf;
	v13 =	vld [tilespmem:s23+$0x3210]  }
0x2f: {  	s24 =	simm.s32 $0x400;
	v11 =	vimm.f32 $-Inf;
	v6 =	vimm.f32 $-Inf;
	v4 =	vimm.f32 $-Inf;
	v12 =	vld [tilespmem:s23+$0x3220]  }
.LBB2_4:
0x30: {  	p0 =	sne.s32 s24, $0xC400;
	v16 =	vld [tilespmem:s23+$0x3230]  }
0x31: {  	v10 =	vmax.f32 v10, v15;
	v15 =	vld [tilespmem:s23+$0x3270]  }
0x32: {  	v10 =	vmax.f32 v10, v14;
	v14 =	vld [tilespmem:s23+$0x32B0]  }
0x33: {  	v8 =	vmax.f32 v10, v8;
	v17 =	vld [tilespmem:s23+$0x32F0];
	s23 =	sshra.s32 s24, $0x2  }
0x34: {  	v10 =	vmax.f32 v8, v3;
	v3 =	vld [tilespmem:s23+$0x32C0]  }
0x35: {  	v8 =	vmax.f32 v11, v13;
	v6 =	vmax.f32 v6, v12;
	v18 =	vld [tilespmem:s23+$0x32D0];
	v4 =	vmax.f32 v4, v16  }
0x36: {  	v9 =	vmax.f32 v8, v9;
	v6 =	vmax.f32 v6, v7;
	v12 =	vld [tilespmem:s23+$0x32E0];
	v4 =	vmax.f32 v4, v15  }
0x37: {  	v7 =	vmax.f32 v9, v5;
	v1 =	vmax.f32 v6, v1;
	v8 =	vld [tilespmem:s23+$0x3280];
	v4 =	vmax.f32 v4, v14  }
0x38: {  	v11 =	vmax.f32 v7, v2;
	v6 =	vmax.f32 v1, v0;
	v5 =	vld [tilespmem:s23+$0x3290];
	v4 =	vmax.f32 v4, v17  }
0x39: {  	v1 =	vld [tilespmem:s23+$0x32A0]  }
0x3a: {  	v14 =	vld [tilespmem:s23+$0x3240];
	v2 =	vmov v18  }
.Ltmp0:
0x3b: {  	v9 =	vld [tilespmem:s23+$0x3250];
	v0 =	vmov v12;
	(pc) =	sbr.rel @p0 .LBB2_4-.Ltmp0, $4  }
0x3c: {  	v15 =	vld [tilespmem:s23+$0x3200]  }
0x3d: {  	v7 =	vld [tilespmem:s23+$0x3260]  }
0x3e: {  	v13 =	vld [tilespmem:s23+$0x3210]  }
0x3f: {  	s24 =	sadd.s32 $0x400, s24;
	v12 =	vld [tilespmem:s23+$0x3220]  }
0x40: {  	_ = 	snop  }
0x41: {  	v10 =	vmax.f32 v10, v15  }
0x42: {  	v10 =	vmax.f32 v10, v14  }
0x43: {  	v8 =	vmax.f32 v10, v8  }
0x44: {  	v3 =	vmax.f32 v8, v3  }
0x45: {  	v3 =	vadd.f32 v3, v3;
	_ =	sdelay $0x1  }
0x46: {  	v3 =	vmul.f32 $1.442695020e+00, v3;
	_ =	sdelay $0x1  }
0x47: {  	(erf) = vpow2.f32 v3;
	_ =	sdelay $0x3  }
0x48: {  	v3 =	vmax.f32 v11, v13  }
0x49: {  	v3 =	vmax.f32 v3, v9  }
0x4a: {  	v3 =	vmax.f32 v3, v5;
	_ =	sdelay $0x1  }
0x4b: {  	v2 =	vmax.f32 v3, v2  }
0x4c: {  	v2 =	vadd.f32 v2, v2;
	v3 =	vpop (erf)  }
0x4d: {  	v3 =	vadd.f32 $1.000000000e+00, v3  }
0x4e: {  	v2 =	vmul.f32 $1.442695020e+00, v2  }
0x4f: {  	(erf) = vrcp.f32 v3  }
0x50: {  	(erf) = vpow2.f32 v2;
	_ =	sdelay $0x2  }
0x51: {  	v2 =	vmax.f32 v6, v12  }
0x52: {  	v2 =	vmax.f32 v2, v7  }
0x53: {  	v1 =	vmax.f32 v2, v1;
	_ =	sdelay $0x2  }
0x54: {  	v0 =	vmax.f32 v1, v0;
	v1 =	vpop (erf)  }
0x55: {  	v0 =	vadd.f32 v0, v0;
	v2 =	vpop (erf)  }
0x56: {  	v2 =	vadd.f32 $1.000000000e+00, v2  }
0x57: {  	v0 =	vmul.f32 $1.442695020e+00, v0  }
0x58: {  	(erf) = vrcp.f32 v2  }
0x59: {  	v2 =	vld [tilespmem:s23+$0x3230];
	(erf) = vpow2.f32 v0  }
0x5a: {  	v0 =	vld [tilespmem:s23+$0x3270]  }
0x5b: {  	v3 =	vld [tilespmem:s23+$0x32B0]  }
0x5c: {  	v5 =	vld [tilespmem:s23+$0x32F0];
	_ =	sdelay $0x1  }
0x5d: {  	v2 =	vmax.f32 v4, v2  }
0x5e: {  	v0 =	vmax.f32 v2, v0  }
0x5f: {  	v0 =	vmax.f32 v0, v3  }
0x60: {  	v0 =	vmax.f32 v0, v5;
	v2 =	vpop (erf)  }
0x61: {  	v0 =	vadd.f32 v0, v0;
	v3 =	vpop (erf)  }
0x62: {  	v3 =	vadd.f32 $1.000000000e+00, v3  }
0x63: {  	v0 =	vmul.f32 $1.442695020e+00, v0  }
0x64: {  	(erf) = vrcp.f32 v3  }
0x65: {  	(erf) = vpow2.f32 v0;
	_ =	sdelay $0x7  }
0x66: {  	v0 =	vpop (erf)  }
0x67: {  	v3 =	vpop (erf)  }
0x68: {  	v3 =	vadd.f32 $1.000000000e+00, v3;
	_ =	sdelay $0x1  }
0x69: {  	(erf) = vrcp.f32 v3;
	_ =	sdelay $0x6  }
0x6a: {  	v1 =	vadd.f32 v1, v1  }
0x6b: {  	v2 =	vadd.f32 v2, v2  }
0x6c: {  	s31 =	sshll.u32 s21, $0x7;
	v1 =	vsub.f32 $1.000000000e+00, v1;
	v0 =	vadd.f32 v0, v0;
	v3 =	vpop (erf)  }
0x6d: {  	p0 =	seq.s32 s21, $0x1F;
	s23 =	sand.u32 $0x3FFFFF80, s31;
	v2 =	vsub.f32 $1.000000000e+00, v2;
	v3 =	vadd.f32 v3, v3  }
0x6e: {  	s24 =	smul.u32 @!p0 $0x640, s21;
	[tilespmem:s23+$0x9600] =	vst v1;
	v0 =	vsub.f32 $1.000000000e+00, v0  }
0x6f: {  	[tilespmem:s23+$0x9610] =	vst v2;
	v1 =	vsub.f32 $1.000000000e+00, v3  }
0x70: {  	s24 =	sshra.s32 @!p0 s24, $0x2;
	[tilespmem:s23+$0x9620] =	vst v0  }
0x71: {  	s25 =	simm.s32 @!p0 $0x80;
	s26 =	simm.s32 @!p0 $0x3200;
	[tilespmem:s23+$0x9630] =	vst v1;
	s23 =	sadd.s32 @!p0 $0x190, s24  }
0x72: {  	[tilespmem:s26], [sflag:$0x1] =	stream.indirect.gather @!p0 [hbm4b:s5+s25], $0x40, s23, s25, $0xb8;
	[tilespmem:$0xA600] =	vst v63  }
0x73: {  	s23 =	sadd.s32 @!p0 $0x210, s24;
	s24 =	simm.s32 @!p0 $0x48;
	s25 =	simm.s32 @!p0 $0x5200  }
0x74: {  	[tilespmem:s25], [sflag:$0x1] =	stream.indirect.gather @!p0 [hbm4b:s5+s24], $0x40, s23, s24, $0xb8;
	[tilespmem:$0xA600] =	vst v63  }
0x75: {  	_ =	swait.ge [sflag:s16], $0x2000  }
0x76: {  	[sflag:s16] =	ssyncset.done $0x0  }
0x77: {  	[sflag:s16] =	ssyncadd.s32 $0xFFFFE000  }
0x78: {  	_ =	swait.ge [sflag:s16], $0x1200  }
0x79: {  	[sflag:s16] =	ssyncset.done $0x0  }
0x7a: {  	s23 =	simm.s32 $0x0;
	[sflag:s16] =	ssyncadd.s32 $0xFFFFEE00  }
0x7b: {  	v3 =	vld [tilespmem:s23+$0x64C0]  }
0x7c: {  	v2 =	vld [tilespmem:s23+$0x64D0]  }
0x7d: {  	v0 =	vld [tilespmem:s23+$0x64E0]  }
0x7e: {  	v8 =	vld [tilespmem:s23+$0x6480]  }
0x7f: {  	v5 =	vld [tilespmem:s23+$0x6490]  }
0x80: {  	v1 =	vld [tilespmem:s23+$0x64A0]  }
0x81: {  	v14 =	vld [tilespmem:s23+$0x6440]  }
0x82: {  	v9 =	vld [tilespmem:s23+$0x6450]  }
0x83: {  	v15 =	vld [tilespmem:s23+$0x6400]  }
0x84: {  	v7 =	vld [tilespmem:s23+$0x6460]  }
0x85: {  	v10 =	vimm.f32 $-Inf;
	v13 =	vld [tilespmem:s23+$0x6410]  }
0x86: {  	v11 =	vimm.f32 $-Inf;
	v6 =	vimm.f32 $-Inf;
	v4 =	vimm.f32 $-Inf;
	s24 =	simm.s32 $0x400;
	v12 =	vld [tilespmem:s23+$0x6420]  }
.LBB2_6:
0x87: {  	p0 =	sne.s32 s24, $0xC400;
	v16 =	vld [tilespmem:s23+$0x6430]  }
0x88: {  	v10 =	vmax.f32 v10, v15;
	v15 =	vld [tilespmem:s23+$0x6470]  }
0x89: {  	v10 =	vmax.f32 v10, v14;
	v14 =	vld [tilespmem:s23+$0x64B0]  }
0x8a: {  	v8 =	vmax.f32 v10, v8;
	v17 =	vld [tilespmem:s23+$0x64F0];
	s23 =	sshra.s32 s24, $0x2  }
0x8b: {  	v10 =	vmax.f32 v8, v3;
	v3 =	vld [tilespmem:s23+$0x64C0]  }
0x8c: {  	v8 =	vmax.f32 v11, v13;
	v6 =	vmax.f32 v6, v12;
	v18 =	vld [tilespmem:s23+$0x64D0];
	v4 =	vmax.f32 v4, v16  }
0x8d: {  	v9 =	vmax.f32 v8, v9;
	v6 =	vmax.f32 v6, v7;
	v12 =	vld [tilespmem:s23+$0x64E0];
	v4 =	vmax.f32 v4, v15  }
0x8e: {  	v7 =	vmax.f32 v9, v5;
	v1 =	vmax.f32 v6, v1;
	v8 =	vld [tilespmem:s23+$0x6480];
	v4 =	vmax.f32 v4, v14  }
0x8f: {  	v11 =	vmax.f32 v7, v2;
	v6 =	vmax.f32 v1, v0;
	v5 =	vld [tilespmem:s23+$0x6490];
	v4 =	vmax.f32 v4, v17  }
0x90: {  	v1 =	vld [tilespmem:s23+$0x64A0]  }
0x91: {  	v14 =	vld [tilespmem:s23+$0x6440];
	v2 =	vmov v18  }
.Ltmp1:
0x92: {  	v9 =	vld [tilespmem:s23+$0x6450];
	v0 =	vmov v12;
	(pc) =	sbr.rel @p0 .LBB2_6-.Ltmp1, $4  }
0x93: {  	v15 =	vld [tilespmem:s23+$0x6400]  }
0x94: {  	v7 =	vld [tilespmem:s23+$0x6460]  }
0x95: {  	v13 =	vld [tilespmem:s23+$0x6410]  }
0x96: {  	s24 =	sadd.s32 $0x400, s24;
	v12 =	vld [tilespmem:s23+$0x6420]  }
0x97: {  	_ = 	snop  }
0x98: {  	v10 =	vmax.f32 v10, v15  }
0x99: {  	v10 =	vmax.f32 v10, v14  }
0x9a: {  	v8 =	vmax.f32 v10, v8  }
0x9b: {  	v3 =	vmax.f32 v8, v3  }
0x9c: {  	v3 =	vadd.f32 v3, v3;
	_ =	sdelay $0x1  }
0x9d: {  	v3 =	vmul.f32 $1.442695020e+00, v3;
	_ =	sdelay $0x1  }
0x9e: {  	(erf) = vpow2.f32 v3;
	_ =	sdelay $0x4  }
0x9f: {  	v50 =	vmax.f32 v11, v13  }
0xa0: {  	v3 =	vmax.f32 v50, v9  }
0xa1: {  	v3 =	vmax.f32 v3, v5  }
0xa2: {  	v2 =	vmax.f32 v3, v2  }
0xa3: {  	v2 =	vadd.f32 v2, v2;
	v51 =	vpop (erf)  }
0xa4: {  	v3 =	vadd.f32 $1.000000000e+00, v51  }
0xa5: {  	v2 =	vmul.f32 $1.442695020e+00, v2  }
0xa6: {  	(erf) = vrcp.f32 v3  }
0xa7: {  	(erf) = vpow2.f32 v2;
	_ =	sdelay $0x4  }
0xa8: {  	v52 =	vmax.f32 v6, v12  }
0xa9: {  	v2 =	vmax.f32 v52, v7  }
0xaa: {  	v1 =	vmax.f32 v2, v1  }
0xab: {  	v0 =	vmax.f32 v1, v0;
	v53 =	vpop (erf)  }
0xac: {  	v0 =	vadd.f32 v0, v0;
	v54 =	vpop (erf)  }
0xad: {  	v2 =	vadd.f32 $1.000000000e+00, v54  }
0xae: {  	v0 =	vmul.f32 $1.442695020e+00, v0  }
0xaf: {  	(erf) = vrcp.f32 v2  }
0xb0: {  	v55 =	vld [tilespmem:s23+$0x6430];
	(erf) = vpow2.f32 v0  }
0xb1: {  	v56 =	vld [tilespmem:s23+$0x6470]  }
0xb2: {  	v57 =	vld [tilespmem:s23+$0x64B0]  }
0xb3: {  	v58 =	vld [tilespmem:s23+$0x64F0];
	_ =	sdelay $0x1  }
0xb4: {  	v2 =	vmax.f32 v4, v55  }
0xb5: {  	v0 =	vmax.f32 v2, v56  }
0xb6: {  	v0 =	vmax.f32 v0, v57  }
0xb7: {  	v0 =	vmax.f32 v0, v58;
	v59 =	vpop (erf)  }
0xb8: {  	v0 =	vadd.f32 v0, v0;
	v60 =	vpop (erf)  }
0xb9: {  	v3 =	vadd.f32 $1.000000000e+00, v60  }
0xba: {  	v0 =	vmul.f32 $1.442695020e+00, v0  }
0xbb: {  	(erf) = vrcp.f32 v3  }
0xbc: {  	(erf) = vpow2.f32 v0;
	_ =	sdelay $0x7  }
0xbd: {  	v61 =	vpop (erf)  }
0xbe: {  	v62 =	vpop (erf)  }
0xbf: {  	v3 =	vadd.f32 $1.000000000e+00, v62;
	_ =	sdelay $0x1  }
0xc0: {  	(erf) = vrcp.f32 v3;
	_ =	sdelay $0x6  }
0xc1: {  	v1 =	vadd.f32 v53, v53  }
0xc2: {  	s21 =	sadd.s32 $0x1, s21;
	v2 =	vadd.f32 v59, v59  }
0xc3: {  	s22 =	sshll.u32 s22, $0x6;
	p0 =	sne.s32 s21, $0x20;
	v1 =	vsub.f32 $1.000000000e+00, v1;
	v0 =	vadd.f32 v61, v61;
	v3 =	vpop (erf)  }
.Ltmp2:
0xc4: {  	s22 =	sand.u32 $0x3FFFFFC0, s22;
	v2 =	vsub.f32 $1.000000000e+00, v2;
	v3 =	vadd.f32 v3, v3;
	(pc) =	sbr.rel @p0 .LBB2_3-.Ltmp2, $4  }
0xc5: {  	[tilespmem:s22+$0x9600] =	vst v1;
	v0 =	vsub.f32 $1.000000000e+00, v0  }
0xc6: {  	[tilespmem:s22+$0x9610] =	vst v2;
	v63 =	vsub.f32 $1.000000000e+00, v3  }
0xc7: {  	[tilespmem:s22+$0x9620] =	vst v0  }
0xc8: {  	[tilespmem:s22+$0x9630] =	vst v63  }
0xc9: {  	s19 =	sadd.s32 $0x1, s19  }
0xca: {  	s20 =	sshll.u32 s20, $0x3;
	p0 =	sne.s32 s19, $0x8  }
.Ltmp3:
0xcb: {  	s20 =	sadd.s32 s1, s20;
	(pc) =	sbr.rel @p0 .LBB2_2-.Ltmp3, $4  }
0xcc: {  	[hbm4b:s20+s2] =	stream.linear.scatter [tilespmem:s17], [sflag:$0x3], $0x1000, $0x38;
	[tilespmem:$0xA600] =	vst v63  }
0xcd: {  	_ =	swait.ge [sflag:s8], $0x1000  }
0xce: {  	[sflag:s8] =	ssyncset.done $0x0  }
0xcf: {  	[sflag:s8] =	ssyncadd.s32 $0xFFFFF000  }
0xd0: {  	s18 =	sadd.s32 $0x1, s18  }
0xd1: {  	p0 =	sne.s32 s18, s7  }
.Ltmp4:
0xd2: {  	_ = 	snop;
	(pc) =	sbr.rel @p0 .LBB2_1-.Ltmp4, $1  }
0xd3: {  	_ =	sdelay $0x3  }
0xd4: {  	_ =	sfence.sel $0x180000  }
0xd5: {  	[bflag:$0x0] =	sbarrier.arrive $0xFFFF  }
0xd6: {  	p0 =	sne.s32 s3, $0x0;
	_ =	strace $0x90000047  }
0xd7: {  	s0 =	sadd.s32 @!p0 $0x100000, s0;
	[bflag:$0x2] =	sbarrier.arrive $0xFFFF  }
0xd8: {  	[sflag:s0] =	ssyncadd.tile.s32 @!p0 $0x1;
	_ =	shalt  }
.Lfunc_end2:
_tile_overlayer_lowered:
.L_overlay_start_2:
0xd9: {  	(tag) =	ssettag $0x2  }
0xda: {  	s0 =	rddreg [dreg:$0x0];
	s2 =	stileid.u32  }
0xdb: {  	s1 =	rddreg [dreg:$0x1];
	p0 =	sne.s32 s2, $0x0  }
0xdc: {  	s3 =	rddreg [dreg:$0x2];
	[bflag:$0x3] =	sbarrier.arrive $0xFFFF;
	s2 =	simm.s32 @!p0 $0x1C03  }
0xdd: {  	[timem:s3], [sflag:s2] =	dma.local @!p0 [hbm:s0], s1  }
0xde: {  	s0 =	simm.s32 @!p0 $0x3  }
0xdf: {  	_ =	swait.ge @!p0 [sflag:s0], s1  }
0xe0: {  	s1 =	ssub.s32 @!p0 $0x0, s1;
	[sflag:s0] =	ssyncset.done @!p0 $0x0  }
0xe1: {  	[sflag:s0] =	ssyncadd.s32 @!p0 s1  }
0xe2: {  	[bflag:$0x3] =	sbarrier.arrive $0xFFFF  }
0xe3: {  	_ =	shalt  }

</sc_bundles>
